<compile_context>
chip_gen: v7x
topology: tpu7x:2x2x1
jax: 0.10.2.dev20260603
libtpu: 0.0.44.dev20260713+nightly
codegen_flags: <defaults>
</compile_context>

<pallas_src>
import functools

import jax
import jax.numpy as jnp
from jax import lax
from jax.experimental import pallas as pl
from jax.experimental.pallas import tpu as pltpu
from jax.experimental.pallas import tpu_sc as plsc

VOCAB = 100000
EMBED = 100
EMBED_PAD = 128
BATCH = 4096
HIST = 50
HIST_PAD = 56

NC = 2
NS = 16
NW = NC * NS

B = BATCH * HIST_PAD
B_PER_W = B // NW
CHUNK = 128
NCHUNK = B_PER_W // CHUNK
RING = 4


def _make_gather():
    mesh = plsc.VectorSubcoreMesh(core_axis_name="c", subcore_axis_name="s")

    @functools.partial(
        pl.kernel,
        mesh=mesh,
        out_type=jax.ShapeDtypeStruct((B, EMBED_PAD), jnp.float32),
        scratch_types=[
            pltpu.VMEM((NCHUNK, CHUNK), jnp.int32),
            pltpu.VMEM((RING, CHUNK, EMBED_PAD), jnp.float32),
            pltpu.SemaphoreType.DMA((RING,)),
        ],
        compiler_params=pltpu.CompilerParams(use_tc_tiling_on_sc=True),
    )
    def gather_kernel(idx_hbm, table_hbm, out_hbm, idx_v, rows_v, sems):
        wid = lax.axis_index("s") * NC + lax.axis_index("c")
        base = wid * B_PER_W
        pltpu.sync_copy(idx_hbm.at[wid], idx_v)

        def fire(c, b):
            pltpu.async_copy(table_hbm.at[idx_v.at[c]], rows_v.at[b], sems.at[b])

        def drain(b):
            pltpu.make_async_copy(
                table_hbm.at[idx_v.at[0]], rows_v.at[b], sems.at[b]
            ).wait()

        for b in range(RING):
            fire(b, b)

        @pl.loop(0, NCHUNK // RING)
        def _group(i):
            c0 = i * RING
            for b in range(RING):
                c = c0 + b
                drain(b)
                off = pl.multiple_of(base + c * CHUNK, CHUNK)
                pltpu.sync_copy(rows_v.at[b], out_hbm.at[pl.ds(off, CHUNK)])

                @pl.when(c + RING < NCHUNK)
                def _():
                    fire(c + RING, b)

    return gather_kernel


_gather = _make_gather()

VBLK = 2048


def _transpose_pad_kernel(gt_ref, eye_ref, out_ref):
    res = jax.lax.dot_general(
        gt_ref[...], eye_ref[...], (((0,), (0,)), ((), ())),
        preferred_element_type=jnp.float32,
        precision=jax.lax.Precision.HIGHEST,
    )
    out_ref[...] = jnp.concatenate(
        [res, jnp.zeros((VBLK, EMBED_PAD - EMBED), jnp.float32)], axis=1
    )


def _transpose_pad(gt, eye):
    grid = (VOCAB + VBLK - 1) // VBLK
    return pl.pallas_call(
        _transpose_pad_kernel,
        grid=(grid,),
        in_specs=[
            pl.BlockSpec((EMBED, VBLK), lambda i: (0, i)),
            pl.BlockSpec((EMBED, EMBED), lambda i: (0, 0)),
        ],
        out_specs=pl.BlockSpec((VBLK, EMBED_PAD), lambda i: (i, 0)),
        out_shape=jax.ShapeDtypeStruct((VOCAB, EMBED_PAD), jnp.float32),
    )(gt, eye)


def kernel(x, glove_embd):
    dummy = (jnp.arange(BATCH * (HIST_PAD - HIST), dtype=jnp.int32)
             % VOCAB).reshape(BATCH, HIST_PAD - HIST)
    idx = jnp.concatenate([x.astype(jnp.int32), dummy], axis=1)
    idx = idx.reshape(NW, NCHUNK, CHUNK)
    table = _transpose_pad(glove_embd.T, jnp.eye(EMBED, dtype=jnp.float32))
    out = _gather(idx, table)
    return out.reshape(BATCH, HIST_PAD, EMBED_PAD)[:, :HIST, :EMBED]

# --- scband reference (transcript-rebuilt; emitter-appended) ---
"""Pipeline reference for scband-word-embed-63660005261484 (READ-ONLY COPY).

The authoritative reference and input builder live on the scoring server;
editing this copy changes nothing except your own understanding.
"""

import jax, jax.numpy as jnp
import numpy as np

VOCAB = 100000
EMBED = 100
BATCH = 4096
HIST = 50

def setup_inputs(seed: int = 0) -> dict:
    key = jax.random.key(seed)
    k_idx, k_tab = jax.random.split(key)
    x = jax.random.randint(k_idx, (BATCH, HIST), 0, VOCAB, dtype=jnp.int64)
    glove_embd = jax.random.normal(k_tab, (VOCAB, EMBED), dtype=jnp.float32)
    return {"x": x, "glove_embd": glove_embd}

def reference(x, glove_embd):
    # nn.Embedding lookup: out[b, t, :] = table[x[b, t], :]
    return jnp.take(glove_embd, x, axis=0)

if __name__ == "__main__":
    import jax
    _d = setup_inputs()
    print(jax.jit(kernel)(*tuple(_d.values())))

</pallas_src>

<mosaic_0001>
#map = affine_map<(d0, d1) -> (0, 0, 0)>
#map1 = affine_map<(d0, d1) -> (0, 0)>
module attributes {stable_mosaic.version = 14 : i64} {
  func.func @gather_kernel(%arg0: i32, %arg1: i32, %arg2: memref<32x56x128xi32, #tpu.memory_space<hbm>>, %arg3: memref<100000x128xf32, #tpu.memory_space<hbm>>, %arg4: memref<229376x128xf32, #tpu.memory_space<hbm>>, %arg5: memref<56x128xi32, #tpu.memory_space<vmem>>, %arg6: memref<4x128x128xf32, #tpu.memory_space<vmem>>, %arg7: memref<4x!tpu.dma_semaphore, #tpu.memory_space<semaphore_mem>>) attributes {dimension_semantics = [#tpu.dimension_semantics<core_parallel>, #tpu.dimension_semantics<subcore_parallel>], iteration_bounds = array<i64: 2, 16>, scalar_prefetch = 0 : i64, scratch_operands = 3 : i64, tpu.core_type = #tpu.core_type<sc_vector_subcore>, window_params = [{transform_indices = #map}, {transform_indices = #map1}, {transform_indices = #map1}]} {
    %mul3A = arith.constant 2 : i32
    %mul3A_0 = arith.muli %arg1, %mul3A : i32
    %add3A = arith.addi %mul3A_0, %arg0 : i32
    %mul3A_1 = arith.constant 7168 : i32
    %mul3A_2 = arith.muli %add3A, %mul3A_1 : i32
    "tpu.region"() ({
      %run_scoped3A = tpu.sem_alloc : memref<!tpu.dma_semaphore, #tpu.memory_space<semaphore_mem>>
      %dma_start3A_66 = arith.constant 0 : i32
      %dma_start3A_67 = arith.constant 0 : i32
      %dma_start3A_68 = tpu.memref_slice %arg2[%add3A, %dma_start3A_66, %dma_start3A_67] : memref<32x56x128xi32, #tpu.memory_space<hbm>> -> memref<1x56x128xi32, #tpu.memory_space<hbm>>
      %dma_start3A_69 = tpu.memref_squeeze %dma_start3A_68 : memref<1x56x128xi32, #tpu.memory_space<hbm>> -> memref<56x128xi32, #tpu.memory_space<hbm>>
      %dma_start3A_70 = arith.constant 0 : i32
      %dma_start3A_71 = arith.constant 0 : i32
      %dma_start3A_72 = tpu.memref_slice %arg2[%add3A, %dma_start3A_70, %dma_start3A_71] : memref<32x56x128xi32, #tpu.memory_space<hbm>> -> memref<1x56x128xi32, #tpu.memory_space<hbm>>
      %dma_start3A_73 = tpu.memref_squeeze %dma_start3A_72 : memref<1x56x128xi32, #tpu.memory_space<hbm>> -> memref<56x128xi32, #tpu.memory_space<hbm>>
      tpu.enqueue_dma source(%dma_start3A_73 : memref<56x128xi32, #tpu.memory_space<hbm>>) target(%arg5 : memref<56x128xi32, #tpu.memory_space<vmem>>) target_semaphore(%run_scoped3A : memref<!tpu.dma_semaphore, #tpu.memory_space<semaphore_mem>>)
      %dma_wait3A = arith.constant 0 : i32
      %dma_wait3A_74 = arith.constant 0 : i32
      %dma_wait3A_75 = tpu.memref_slice %arg2[%add3A, %dma_wait3A, %dma_wait3A_74] : memref<32x56x128xi32, #tpu.memory_space<hbm>> -> memref<1x56x128xi32, #tpu.memory_space<hbm>>
      %dma_wait3A_76 = tpu.memref_squeeze %dma_wait3A_75 : memref<1x56x128xi32, #tpu.memory_space<hbm>> -> memref<56x128xi32, #tpu.memory_space<hbm>>
      %dma_wait3A_77 = arith.constant 0 : i32
      %dma_wait3A_78 = arith.constant 0 : i32
      %dma_wait3A_79 = tpu.memref_slice %arg2[%add3A, %dma_wait3A_77, %dma_wait3A_78] : memref<32x56x128xi32, #tpu.memory_space<hbm>> -> memref<1x56x128xi32, #tpu.memory_space<hbm>>
      %dma_wait3A_80 = tpu.memref_squeeze %dma_wait3A_79 : memref<1x56x128xi32, #tpu.memory_space<hbm>> -> memref<56x128xi32, #tpu.memory_space<hbm>>
      tpu.wait_dma2 semaphore(%run_scoped3A : memref<!tpu.dma_semaphore, #tpu.memory_space<semaphore_mem>>) src(%dma_wait3A_80 : memref<56x128xi32, #tpu.memory_space<hbm>>) dst(%arg5 : memref<56x128xi32, #tpu.memory_space<vmem>>)
      tpu.yield
    }) : () -> ()
    %dma_start3A = arith.constant 0 : i32
    %dma_start3A_3 = arith.constant 0 : i32
    %dma_start3A_4 = arith.constant 0 : i32
    %dma_start3A_5 = arith.constant 0 : i32
    %dma_start3A_6 = arith.constant 0 : i32
    %dma_start3A_7 = tpu.memref_slice %arg6[%dma_start3A_3, %dma_start3A_5, %dma_start3A_6] : memref<4x128x128xf32, #tpu.memory_space<vmem>> -> memref<1x128x128xf32, #tpu.memory_space<vmem>>
    %dma_start3A_8 = tpu.memref_squeeze %dma_start3A_7 : memref<1x128x128xf32, #tpu.memory_space<vmem>> -> memref<128x128xf32, #tpu.memory_space<vmem>>
    %dma_start3A_9 = arith.constant 0 : i32
    %dma_start3A_10 = tpu.memref_slice %arg5[%dma_start3A, %dma_start3A_9] : memref<56x128xi32, #tpu.memory_space<vmem>> -> memref<1x128xi32, #tpu.memory_space<vmem>>
    %dma_start3A_11 = tpu.memref_squeeze %dma_start3A_10 : memref<1x128xi32, #tpu.memory_space<vmem>> -> memref<128xi32, #tpu.memory_space<vmem>>
    %dma_start3A_12 = arith.constant 0 : i32
    %dma_start3A_13 = arith.constant 0 : i32
    %dma_start3A_14 = tpu.memref_slice %arg3[%dma_start3A_12, %dma_start3A_13] : memref<100000x128xf32, #tpu.memory_space<hbm>> -> memref<100000x128xf32, #tpu.memory_space<hbm>>
    %dma_start3A_15 = tpu.memref_slice %arg7[%dma_start3A_4] : memref<4x!tpu.dma_semaphore, #tpu.memory_space<semaphore_mem>> -> memref<1x!tpu.dma_semaphore, #tpu.memory_space<semaphore_mem>>
    %dma_start3A_16 = tpu.memref_squeeze %dma_start3A_15 : memref<1x!tpu.dma_semaphore, #tpu.memory_space<semaphore_mem>> -> memref<!tpu.dma_semaphore, #tpu.memory_space<semaphore_mem>>
    tpu.enqueue_indirect_dma source(%dma_start3A_14 : memref<100000x128xf32, #tpu.memory_space<hbm>>) target(%dma_start3A_8 : memref<128x128xf32, #tpu.memory_space<vmem>>) offsets(%dma_start3A_11 : memref<128xi32, #tpu.memory_space<vmem>>) semaphore(%dma_start3A_16 : memref<!tpu.dma_semaphore, #tpu.memory_space<semaphore_mem>>)
    %dma_start3A_17 = arith.constant 1 : i32
    %dma_start3A_18 = arith.constant 1 : i32
    %dma_start3A_19 = arith.constant 1 : i32
    %dma_start3A_20 = arith.constant 0 : i32
    %dma_start3A_21 = arith.constant 0 : i32
    %dma_start3A_22 = tpu.memref_slice %arg6[%dma_start3A_18, %dma_start3A_20, %dma_start3A_21] : memref<4x128x128xf32, #tpu.memory_space<vmem>> -> memref<1x128x128xf32, #tpu.memory_space<vmem>>
    %dma_start3A_23 = tpu.memref_squeeze %dma_start3A_22 : memref<1x128x128xf32, #tpu.memory_space<vmem>> -> memref<128x128xf32, #tpu.memory_space<vmem>>
    %dma_start3A_24 = arith.constant 0 : i32
    %dma_start3A_25 = tpu.memref_slice %arg5[%dma_start3A_17, %dma_start3A_24] : memref<56x128xi32, #tpu.memory_space<vmem>> -> memref<1x128xi32, #tpu.memory_space<vmem>>
    %dma_start3A_26 = tpu.memref_squeeze %dma_start3A_25 : memref<1x128xi32, #tpu.memory_space<vmem>> -> memref<128xi32, #tpu.memory_space<vmem>>
    %dma_start3A_27 = arith.constant 0 : i32
    %dma_start3A_28 = arith.constant 0 : i32
    %dma_start3A_29 = tpu.memref_slice %arg3[%dma_start3A_27, %dma_start3A_28] : memref<100000x128xf32, #tpu.memory_space<hbm>> -> memref<100000x128xf32, #tpu.memory_space<hbm>>
    %dma_start3A_30 = tpu.memref_slice %arg7[%dma_start3A_19] : memref<4x!tpu.dma_semaphore, #tpu.memory_space<semaphore_mem>> -> memref<1x!tpu.dma_semaphore, #tpu.memory_space<semaphore_mem>>
    %dma_start3A_31 = tpu.memref_squeeze %dma_start3A_30 : memref<1x!tpu.dma_semaphore, #tpu.memory_space<semaphore_mem>> -> memref<!tpu.dma_semaphore, #tpu.memory_space<semaphore_mem>>
    tpu.enqueue_indirect_dma source(%dma_start3A_29 : memref<100000x128xf32, #tpu.memory_space<hbm>>) target(%dma_start3A_23 : memref<128x128xf32, #tpu.memory_space<vmem>>) offsets(%dma_start3A_26 : memref<128xi32, #tpu.memory_space<vmem>>) semaphore(%dma_start3A_31 : memref<!tpu.dma_semaphore, #tpu.memory_space<semaphore_mem>>)
    %dma_start3A_32 = arith.constant 2 : i32
    %dma_start3A_33 = arith.constant 2 : i32
    %dma_start3A_34 = arith.constant 2 : i32
    %dma_start3A_35 = arith.constant 0 : i32
    %dma_start3A_36 = arith.constant 0 : i32
    %dma_start3A_37 = tpu.memref_slice %arg6[%dma_start3A_33, %dma_start3A_35, %dma_start3A_36] : memref<4x128x128xf32, #tpu.memory_space<vmem>> -> memref<1x128x128xf32, #tpu.memory_space<vmem>>
    %dma_start3A_38 = tpu.memref_squeeze %dma_start3A_37 : memref<1x128x128xf32, #tpu.memory_space<vmem>> -> memref<128x128xf32, #tpu.memory_space<vmem>>
    %dma_start3A_39 = arith.constant 0 : i32
    %dma_start3A_40 = tpu.memref_slice %arg5[%dma_start3A_32, %dma_start3A_39] : memref<56x128xi32, #tpu.memory_space<vmem>> -> memref<1x128xi32, #tpu.memory_space<vmem>>
    %dma_start3A_41 = tpu.memref_squeeze %dma_start3A_40 : memref<1x128xi32, #tpu.memory_space<vmem>> -> memref<128xi32, #tpu.memory_space<vmem>>
    %dma_start3A_42 = arith.constant 0 : i32
    %dma_start3A_43 = arith.constant 0 : i32
    %dma_start3A_44 = tpu.memref_slice %arg3[%dma_start3A_42, %dma_start3A_43] : memref<100000x128xf32, #tpu.memory_space<hbm>> -> memref<100000x128xf32, #tpu.memory_space<hbm>>
    %dma_start3A_45 = tpu.memref_slice %arg7[%dma_start3A_34] : memref<4x!tpu.dma_semaphore, #tpu.memory_space<semaphore_mem>> -> memref<1x!tpu.dma_semaphore, #tpu.memory_space<semaphore_mem>>
    %dma_start3A_46 = tpu.memref_squeeze %dma_start3A_45 : memref<1x!tpu.dma_semaphore, #tpu.memory_space<semaphore_mem>> -> memref<!tpu.dma_semaphore, #tpu.memory_space<semaphore_mem>>
    tpu.enqueue_indirect_dma source(%dma_start3A_44 : memref<100000x128xf32, #tpu.memory_space<hbm>>) target(%dma_start3A_38 : memref<128x128xf32, #tpu.memory_space<vmem>>) offsets(%dma_start3A_41 : memref<128xi32, #tpu.memory_space<vmem>>) semaphore(%dma_start3A_46 : memref<!tpu.dma_semaphore, #tpu.memory_space<semaphore_mem>>)
    %dma_start3A_47 = arith.constant 3 : i32
    %dma_start3A_48 = arith.constant 3 : i32
    %dma_start3A_49 = arith.constant 3 : i32
    %dma_start3A_50 = arith.constant 0 : i32
    %dma_start3A_51 = arith.constant 0 : i32
    %dma_start3A_52 = tpu.memref_slice %arg6[%dma_start3A_48, %dma_start3A_50, %dma_start3A_51] : memref<4x128x128xf32, #tpu.memory_space<vmem>> -> memref<1x128x128xf32, #tpu.memory_space<vmem>>
    %dma_start3A_53 = tpu.memref_squeeze %dma_start3A_52 : memref<1x128x128xf32, #tpu.memory_space<vmem>> -> memref<128x128xf32, #tpu.memory_space<vmem>>
    %dma_start3A_54 = arith.constant 0 : i32
    %dma_start3A_55 = tpu.memref_slice %arg5[%dma_start3A_47, %dma_start3A_54] : memref<56x128xi32, #tpu.memory_space<vmem>> -> memref<1x128xi32, #tpu.memory_space<vmem>>
    %dma_start3A_56 = tpu.memref_squeeze %dma_start3A_55 : memref<1x128xi32, #tpu.memory_space<vmem>> -> memref<128xi32, #tpu.memory_space<vmem>>
    %dma_start3A_57 = arith.constant 0 : i32
    %dma_start3A_58 = arith.constant 0 : i32
    %dma_start3A_59 = tpu.memref_slice %arg3[%dma_start3A_57, %dma_start3A_58] : memref<100000x128xf32, #tpu.memory_space<hbm>> -> memref<100000x128xf32, #tpu.memory_space<hbm>>
    %dma_start3A_60 = tpu.memref_slice %arg7[%dma_start3A_49] : memref<4x!tpu.dma_semaphore, #tpu.memory_space<semaphore_mem>> -> memref<1x!tpu.dma_semaphore, #tpu.memory_space<semaphore_mem>>
    %dma_start3A_61 = tpu.memref_squeeze %dma_start3A_60 : memref<1x!tpu.dma_semaphore, #tpu.memory_space<semaphore_mem>> -> memref<!tpu.dma_semaphore, #tpu.memory_space<semaphore_mem>>
    tpu.enqueue_indirect_dma source(%dma_start3A_59 : memref<100000x128xf32, #tpu.memory_space<hbm>>) target(%dma_start3A_53 : memref<128x128xf32, #tpu.memory_space<vmem>>) offsets(%dma_start3A_56 : memref<128xi32, #tpu.memory_space<vmem>>) semaphore(%dma_start3A_61 : memref<!tpu.dma_semaphore, #tpu.memory_space<semaphore_mem>>)
    %scan3A = arith.constant 0 : i32
    %scan3A_62 = arith.constant 14 : i32
    %scan3A_63 = arith.addi %scan3A, %scan3A_62 : i32
    %scan3A_64 = arith.constant 1 : i32
    scf.for %scan3A_66 = %scan3A to %scan3A_63 step %scan3A_64  : i32 {
      %mul3A_67 = arith.constant 1 : i32
      %mul3A_68 = arith.muli %scan3A_66, %mul3A_67 : i32
      %add3A_69 = arith.constant 0 : i32
      %add3A_70 = arith.addi %add3A_69, %mul3A_68 : i32
      %mul3A_71 = arith.constant 4 : i32
      %mul3A_72 = arith.muli %add3A_70, %mul3A_71 : i32
      %add3A_73 = arith.constant 0 : i32
      %add3A_74 = arith.addi %mul3A_72, %add3A_73 : i32
      %dma_wait3A = arith.constant 0 : i32
      %dma_wait3A_75 = arith.constant 0 : i32
      %dma_wait3A_76 = arith.constant 0 : i32
      %dma_wait3A_77 = arith.constant 0 : i32
      %dma_wait3A_78 = arith.constant 0 : i32
      %dma_wait3A_79 = tpu.memref_slice %arg6[%dma_wait3A_75, %dma_wait3A_77, %dma_wait3A_78] : memref<4x128x128xf32, #tpu.memory_space<vmem>> -> memref<1x128x128xf32, #tpu.memory_space<vmem>>
      %dma_wait3A_80 = tpu.memref_squeeze %dma_wait3A_79 : memref<1x128x128xf32, #tpu.memory_space<vmem>> -> memref<128x128xf32, #tpu.memory_space<vmem>>
      %dma_wait3A_81 = arith.constant 0 : i32
      %dma_wait3A_82 = tpu.memref_slice %arg5[%dma_wait3A, %dma_wait3A_81] : memref<56x128xi32, #tpu.memory_space<vmem>> -> memref<1x128xi32, #tpu.memory_space<vmem>>
      %dma_wait3A_83 = tpu.memref_squeeze %dma_wait3A_82 : memref<1x128xi32, #tpu.memory_space<vmem>> -> memref<128xi32, #tpu.memory_space<vmem>>
      %dma_wait3A_84 = arith.constant 0 : i32
      %dma_wait3A_85 = arith.constant 0 : i32
      %dma_wait3A_86 = tpu.memref_slice %arg3[%dma_wait3A_84, %dma_wait3A_85] : memref<100000x128xf32, #tpu.memory_space<hbm>> -> memref<100000x128xf32, #tpu.memory_space<hbm>>
      %dma_wait3A_87 = tpu.memref_slice %arg7[%dma_wait3A_76] : memref<4x!tpu.dma_semaphore, #tpu.memory_space<semaphore_mem>> -> memref<1x!tpu.dma_semaphore, #tpu.memory_space<semaphore_mem>>
      %dma_wait3A_88 = tpu.memref_squeeze %dma_wait3A_87 : memref<1x!tpu.dma_semaphore, #tpu.memory_space<semaphore_mem>> -> memref<!tpu.dma_semaphore, #tpu.memory_space<semaphore_mem>>
      tpu.wait_indirect_dma semaphore(%dma_wait3A_88 : memref<!tpu.dma_semaphore, #tpu.memory_space<semaphore_mem>>) src(%dma_wait3A_86 : memref<100000x128xf32, #tpu.memory_space<hbm>>) dst(%dma_wait3A_80 : memref<128x128xf32, #tpu.memory_space<vmem>>)
      %mul3A_89 = arith.constant 128 : i32
      %mul3A_90 = arith.muli %add3A_74, %mul3A_89 : i32
      %add3A_91 = arith.addi %mul3A_2, %mul3A_90 : i32
      %multiple_of3A = tpu.assume_multiple %add3A_91, 128 : i32
      %run_scoped3A = arith.constant 0 : i32
      "tpu.region"() ({
        %run_scoped3A_183 = tpu.sem_alloc : memref<!tpu.dma_semaphore, #tpu.memory_space<semaphore_mem>>
        %dma_start3A_184 = arith.constant 0 : i32
        %dma_start3A_185 = arith.constant 0 : i32
        %dma_start3A_186 = tpu.memref_slice %arg6[%run_scoped3A, %dma_start3A_184, %dma_start3A_185] : memref<4x128x128xf32, #tpu.memory_space<vmem>> -> memref<1x128x128xf32, #tpu.memory_space<vmem>>
        %dma_start3A_187 = tpu.memref_squeeze %dma_start3A_186 : memref<1x128x128xf32, #tpu.memory_space<vmem>> -> memref<128x128xf32, #tpu.memory_space<vmem>>
        %dma_start3A_188 = arith.constant 0 : i32
        %dma_start3A_189 = tpu.memref_slice %arg4[%multiple_of3A, %dma_start3A_188] : memref<229376x128xf32, #tpu.memory_space<hbm>> -> memref<128x128xf32, #tpu.memory_space<hbm>>
        %dma_start3A_190 = arith.constant 0 : i32
        %dma_start3A_191 = tpu.memref_slice %arg4[%multiple_of3A, %dma_start3A_190] : memref<229376x128xf32, #tpu.memory_space<hbm>> -> memref<128x128xf32, #tpu.memory_space<hbm>>
        %dma_start3A_192 = arith.constant 0 : i32
        %dma_start3A_193 = arith.constant 0 : i32
        %dma_start3A_194 = tpu.memref_slice %arg6[%run_scoped3A, %dma_start3A_192, %dma_start3A_193] : memref<4x128x128xf32, #tpu.memory_space<vmem>> -> memref<1x128x128xf32, #tpu.memory_space<vmem>>
        %dma_start3A_195 = tpu.memref_squeeze %dma_start3A_194 : memref<1x128x128xf32, #tpu.memory_space<vmem>> -> memref<128x128xf32, #tpu.memory_space<vmem>>
        tpu.enqueue_dma source(%dma_start3A_195 : memref<128x128xf32, #tpu.memory_space<vmem>>) target(%dma_start3A_191 : memref<128x128xf32, #tpu.memory_space<hbm>>) target_semaphore(%run_scoped3A_183 : memref<!tpu.dma_semaphore, #tpu.memory_space<semaphore_mem>>)
        %dma_wait3A_196 = arith.constant 0 : i32
        %dma_wait3A_197 = arith.constant 0 : i32
        %dma_wait3A_198 = tpu.memref_slice %arg6[%run_scoped3A, %dma_wait3A_196, %dma_wait3A_197] : memref<4x128x128xf32, #tpu.memory_space<vmem>> -> memref<1x128x128xf32, #tpu.memory_space<vmem>>
        %dma_wait3A_199 = tpu.memref_squeeze %dma_wait3A_198 : memref<1x128x128xf32, #tpu.memory_space<vmem>> -> memref<128x128xf32, #tpu.memory_space<vmem>>
        %dma_wait3A_200 = arith.constant 0 : i32
        %dma_wait3A_201 = tpu.memref_slice %arg4[%multiple_of3A, %dma_wait3A_200] : memref<229376x128xf32, #tpu.memory_space<hbm>> -> memref<128x128xf32, #tpu.memory_space<hbm>>
        %dma_wait3A_202 = arith.constant 0 : i32
        %dma_wait3A_203 = tpu.memref_slice %arg4[%multiple_of3A, %dma_wait3A_202] : memref<229376x128xf32, #tpu.memory_space<hbm>> -> memref<128x128xf32, #tpu.memory_space<hbm>>
        %dma_wait3A_204 = arith.constant 0 : i32
        %dma_wait3A_205 = arith.constant 0 : i32
        %dma_wait3A_206 = tpu.memref_slice %arg6[%run_scoped3A, %dma_wait3A_204, %dma_wait3A_205] : memref<4x128x128xf32, #tpu.memory_space<vmem>> -> memref<1x128x128xf32, #tpu.memory_space<vmem>>
        %dma_wait3A_207 = tpu.memref_squeeze %dma_wait3A_206 : memref<1x128x128xf32, #tpu.memory_space<vmem>> -> memref<128x128xf32, #tpu.memory_space<vmem>>
        tpu.wait_dma2 semaphore(%run_scoped3A_183 : memref<!tpu.dma_semaphore, #tpu.memory_space<semaphore_mem>>) src(%dma_wait3A_207 : memref<128x128xf32, #tpu.memory_space<vmem>>) dst(%dma_wait3A_203 : memref<128x128xf32, #tpu.memory_space<hbm>>)
        tpu.yield
      }) : () -> ()
      %add3A_92 = arith.constant 4 : i32
      %add3A_93 = arith.addi %add3A_74, %add3A_92 : i32
      %lt3A = arith.constant 56 : i32
      %lt3A_94 = arith.cmpi slt, %add3A_93, %lt3A : i32
      %convert_element_type3A = arith.extui %lt3A_94 : i1 to i32
      %cond3A = arith.constant 0 : i32
      %cond3A_95 = arith.cmpi ne, %convert_element_type3A, %cond3A : i32
      scf.if %cond3A_95 {
        %add3A_183 = arith.constant 4 : i32
        %add3A_184 = arith.addi %add3A_74, %add3A_183 : i32
        %dma_start3A_185 = arith.constant 0 : i32
        %dma_start3A_186 = arith.constant 0 : i32
        %dma_start3A_187 = arith.constant 0 : i32
        %dma_start3A_188 = arith.constant 0 : i32
        %dma_start3A_189 = tpu.memref_slice %arg6[%dma_start3A_185, %dma_start3A_187, %dma_start3A_188] : memref<4x128x128xf32, #tpu.memory_space<vmem>> -> memref<1x128x128xf32, #tpu.memory_space<vmem>>
        %dma_start3A_190 = tpu.memref_squeeze %dma_start3A_189 : memref<1x128x128xf32, #tpu.memory_space<vmem>> -> memref<128x128xf32, #tpu.memory_space<vmem>>
        %dma_start3A_191 = arith.constant 0 : i32
        %dma_start3A_192 = tpu.memref_slice %arg5[%add3A_184, %dma_start3A_191] : memref<56x128xi32, #tpu.memory_space<vmem>> -> memref<1x128xi32, #tpu.memory_space<vmem>>
        %dma_start3A_193 = tpu.memref_squeeze %dma_start3A_192 : memref<1x128xi32, #tpu.memory_space<vmem>> -> memref<128xi32, #tpu.memory_space<vmem>>
        %dma_start3A_194 = arith.constant 0 : i32
        %dma_start3A_195 = arith.constant 0 : i32
        %dma_start3A_196 = tpu.memref_slice %arg3[%dma_start3A_194, %dma_start3A_195] : memref<100000x128xf32, #tpu.memory_space<hbm>> -> memref<100000x128xf32, #tpu.memory_space<hbm>>
        %dma_start3A_197 = tpu.memref_slice %arg7[%dma_start3A_186] : memref<4x!tpu.dma_semaphore, #tpu.memory_space<semaphore_mem>> -> memref<1x!tpu.dma_semaphore, #tpu.memory_space<semaphore_mem>>
        %dma_start3A_198 = tpu.memref_squeeze %dma_start3A_197 : memref<1x!tpu.dma_semaphore, #tpu.memory_space<semaphore_mem>> -> memref<!tpu.dma_semaphore, #tpu.memory_space<semaphore_mem>>
        tpu.enqueue_indirect_dma source(%dma_start3A_196 : memref<100000x128xf32, #tpu.memory_space<hbm>>) target(%dma_start3A_190 : memref<128x128xf32, #tpu.memory_space<vmem>>) offsets(%dma_start3A_193 : memref<128xi32, #tpu.memory_space<vmem>>) semaphore(%dma_start3A_198 : memref<!tpu.dma_semaphore, #tpu.memory_space<semaphore_mem>>)
      } else {
      }
      %add3A_96 = arith.constant 1 : i32
      %add3A_97 = arith.addi %mul3A_72, %add3A_96 : i32
      %dma_wait3A_98 = arith.constant 0 : i32
      %dma_wait3A_99 = arith.constant 1 : i32
      %dma_wait3A_100 = arith.constant 1 : i32
      %dma_wait3A_101 = arith.constant 0 : i32
      %dma_wait3A_102 = arith.constant 0 : i32
      %dma_wait3A_103 = tpu.memref_slice %arg6[%dma_wait3A_99, %dma_wait3A_101, %dma_wait3A_102] : memref<4x128x128xf32, #tpu.memory_space<vmem>> -> memref<1x128x128xf32, #tpu.memory_space<vmem>>
      %dma_wait3A_104 = tpu.memref_squeeze %dma_wait3A_103 : memref<1x128x128xf32, #tpu.memory_space<vmem>> -> memref<128x128xf32, #tpu.memory_space<vmem>>
      %dma_wait3A_105 = arith.constant 0 : i32
      %dma_wait3A_106 = tpu.memref_slice %arg5[%dma_wait3A_98, %dma_wait3A_105] : memref<56x128xi32, #tpu.memory_space<vmem>> -> memref<1x128xi32, #tpu.memory_space<vmem>>
      %dma_wait3A_107 = tpu.memref_squeeze %dma_wait3A_106 : memref<1x128xi32, #tpu.memory_space<vmem>> -> memref<128xi32, #tpu.memory_space<vmem>>
      %dma_wait3A_108 = arith.constant 0 : i32
      %dma_wait3A_109 = arith.constant 0 : i32
      %dma_wait3A_110 = tpu.memref_slice %arg3[%dma_wait3A_108, %dma_wait3A_109] : memref<100000x128xf32, #tpu.memory_space<hbm>> -> memref<100000x128xf32, #tpu.memory_space<hbm>>
      %dma_wait3A_111 = tpu.memref_slice %arg7[%dma_wait3A_100] : memref<4x!tpu.dma_semaphore, #tpu.memory_space<semaphore_mem>> -> memref<1x!tpu.dma_semaphore, #tpu.memory_space<semaphore_mem>>
      %dma_wait3A_112 = tpu.memref_squeeze %dma_wait3A_111 : memref<1x!tpu.dma_semaphore, #tpu.memory_space<semaphore_mem>> -> memref<!tpu.dma_semaphore, #tpu.memory_space<semaphore_mem>>
      tpu.wait_indirect_dma semaphore(%dma_wait3A_112 : memref<!tpu.dma_semaphore, #tpu.memory_space<semaphore_mem>>) src(%dma_wait3A_110 : memref<100000x128xf32, #tpu.memory_space<hbm>>) dst(%dma_wait3A_104 : memref<128x128xf32, #tpu.memory_space<vmem>>)
      %mul3A_113 = arith.constant 128 : i32
      %mul3A_114 = arith.muli %add3A_97, %mul3A_113 : i32
      %add3A_115 = arith.addi %mul3A_2, %mul3A_114 : i32
      %multiple_of3A_116 = tpu.assume_multiple %add3A_115, 128 : i32
      %run_scoped3A_117 = arith.constant 1 : i32
      "tpu.region"() ({
        %run_scoped3A_183 = tpu.sem_alloc : memref<!tpu.dma_semaphore, #tpu.memory_space<semaphore_mem>>
        %dma_start3A_184 = arith.constant 0 : i32
        %dma_start3A_185 = arith.constant 0 : i32
        %dma_start3A_186 = tpu.memref_slice %arg6[%run_scoped3A_117, %dma_start3A_184, %dma_start3A_185] : memref<4x128x128xf32, #tpu.memory_space<vmem>> -> memref<1x128x128xf32, #tpu.memory_space<vmem>>
        %dma_start3A_187 = tpu.memref_squeeze %dma_start3A_186 : memref<1x128x128xf32, #tpu.memory_space<vmem>> -> memref<128x128xf32, #tpu.memory_space<vmem>>
        %dma_start3A_188 = arith.constant 0 : i32
        %dma_start3A_189 = tpu.memref_slice %arg4[%multiple_of3A_116, %dma_start3A_188] : memref<229376x128xf32, #tpu.memory_space<hbm>> -> memref<128x128xf32, #tpu.memory_space<hbm>>
        %dma_start3A_190 = arith.constant 0 : i32
        %dma_start3A_191 = tpu.memref_slice %arg4[%multiple_of3A_116, %dma_start3A_190] : memref<229376x128xf32, #tpu.memory_space<hbm>> -> memref<128x128xf32, #tpu.memory_space<hbm>>
        %dma_start3A_192 = arith.constant 0 : i32
        %dma_start3A_193 = arith.constant 0 : i32
        %dma_start3A_194 = tpu.memref_slice %arg6[%run_scoped3A_117, %dma_start3A_192, %dma_start3A_193] : memref<4x128x128xf32, #tpu.memory_space<vmem>> -> memref<1x128x128xf32, #tpu.memory_space<vmem>>
        %dma_start3A_195 = tpu.memref_squeeze %dma_start3A_194 : memref<1x128x128xf32, #tpu.memory_space<vmem>> -> memref<128x128xf32, #tpu.memory_space<vmem>>
        tpu.enqueue_dma source(%dma_start3A_195 : memref<128x128xf32, #tpu.memory_space<vmem>>) target(%dma_start3A_191 : memref<128x128xf32, #tpu.memory_space<hbm>>) target_semaphore(%run_scoped3A_183 : memref<!tpu.dma_semaphore, #tpu.memory_space<semaphore_mem>>)
        %dma_wait3A_196 = arith.constant 0 : i32
        %dma_wait3A_197 = arith.constant 0 : i32
        %dma_wait3A_198 = tpu.memref_slice %arg6[%run_scoped3A_117, %dma_wait3A_196, %dma_wait3A_197] : memref<4x128x128xf32, #tpu.memory_space<vmem>> -> memref<1x128x128xf32, #tpu.memory_space<vmem>>
        %dma_wait3A_199 = tpu.memref_squeeze %dma_wait3A_198 : memref<1x128x128xf32, #tpu.memory_space<vmem>> -> memref<128x128xf32, #tpu.memory_space<vmem>>
        %dma_wait3A_200 = arith.constant 0 : i32
        %dma_wait3A_201 = tpu.memref_slice %arg4[%multiple_of3A_116, %dma_wait3A_200] : memref<229376x128xf32, #tpu.memory_space<hbm>> -> memref<128x128xf32, #tpu.memory_space<hbm>>
        %dma_wait3A_202 = arith.constant 0 : i32
        %dma_wait3A_203 = tpu.memref_slice %arg4[%multiple_of3A_116, %dma_wait3A_202] : memref<229376x128xf32, #tpu.memory_space<hbm>> -> memref<128x128xf32, #tpu.memory_space<hbm>>
        %dma_wait3A_204 = arith.constant 0 : i32
        %dma_wait3A_205 = arith.constant 0 : i32
        %dma_wait3A_206 = tpu.memref_slice %arg6[%run_scoped3A_117, %dma_wait3A_204, %dma_wait3A_205] : memref<4x128x128xf32, #tpu.memory_space<vmem>> -> memref<1x128x128xf32, #tpu.memory_space<vmem>>
        %dma_wait3A_207 = tpu.memref_squeeze %dma_wait3A_206 : memref<1x128x128xf32, #tpu.memory_space<vmem>> -> memref<128x128xf32, #tpu.memory_space<vmem>>
        tpu.wait_dma2 semaphore(%run_scoped3A_183 : memref<!tpu.dma_semaphore, #tpu.memory_space<semaphore_mem>>) src(%dma_wait3A_207 : memref<128x128xf32, #tpu.memory_space<vmem>>) dst(%dma_wait3A_203 : memref<128x128xf32, #tpu.memory_space<hbm>>)
        tpu.yield
      }) : () -> ()
      %add3A_118 = arith.constant 4 : i32
      %add3A_119 = arith.addi %add3A_97, %add3A_118 : i32
      %lt3A_120 = arith.constant 56 : i32
      %lt3A_121 = arith.cmpi slt, %add3A_119, %lt3A_120 : i32
      %convert_element_type3A_122 = arith.extui %lt3A_121 : i1 to i32
      %cond3A_123 = arith.constant 0 : i32
      %cond3A_124 = arith.cmpi ne, %convert_element_type3A_122, %cond3A_123 : i32
      scf.if %cond3A_124 {
        %add3A_183 = arith.constant 4 : i32
        %add3A_184 = arith.addi %add3A_97, %add3A_183 : i32
        %dma_start3A_185 = arith.constant 1 : i32
        %dma_start3A_186 = arith.constant 1 : i32
        %dma_start3A_187 = arith.constant 0 : i32
        %dma_start3A_188 = arith.constant 0 : i32
        %dma_start3A_189 = tpu.memref_slice %arg6[%dma_start3A_185, %dma_start3A_187, %dma_start3A_188] : memref<4x128x128xf32, #tpu.memory_space<vmem>> -> memref<1x128x128xf32, #tpu.memory_space<vmem>>
        %dma_start3A_190 = tpu.memref_squeeze %dma_start3A_189 : memref<1x128x128xf32, #tpu.memory_space<vmem>> -> memref<128x128xf32, #tpu.memory_space<vmem>>
        %dma_start3A_191 = arith.constant 0 : i32
        %dma_start3A_192 = tpu.memref_slice %arg5[%add3A_184, %dma_start3A_191] : memref<56x128xi32, #tpu.memory_space<vmem>> -> memref<1x128xi32, #tpu.memory_space<vmem>>
        %dma_start3A_193 = tpu.memref_squeeze %dma_start3A_192 : memref<1x128xi32, #tpu.memory_space<vmem>> -> memref<128xi32, #tpu.memory_space<vmem>>
        %dma_start3A_194 = arith.constant 0 : i32
        %dma_start3A_195 = arith.constant 0 : i32
        %dma_start3A_196 = tpu.memref_slice %arg3[%dma_start3A_194, %dma_start3A_195] : memref<100000x128xf32, #tpu.memory_space<hbm>> -> memref<100000x128xf32, #tpu.memory_space<hbm>>
        %dma_start3A_197 = tpu.memref_slice %arg7[%dma_start3A_186] : memref<4x!tpu.dma_semaphore, #tpu.memory_space<semaphore_mem>> -> memref<1x!tpu.dma_semaphore, #tpu.memory_space<semaphore_mem>>
        %dma_start3A_198 = tpu.memref_squeeze %dma_start3A_197 : memref<1x!tpu.dma_semaphore, #tpu.memory_space<semaphore_mem>> -> memref<!tpu.dma_semaphore, #tpu.memory_space<semaphore_mem>>
        tpu.enqueue_indirect_dma source(%dma_start3A_196 : memref<100000x128xf32, #tpu.memory_space<hbm>>) target(%dma_start3A_190 : memref<128x128xf32, #tpu.memory_space<vmem>>) offsets(%dma_start3A_193 : memref<128xi32, #tpu.memory_space<vmem>>) semaphore(%dma_start3A_198 : memref<!tpu.dma_semaphore, #tpu.memory_space<semaphore_mem>>)
      } else {
      }
      %add3A_125 = arith.constant 2 : i32
      %add3A_126 = arith.addi %mul3A_72, %add3A_125 : i32
      %dma_wait3A_127 = arith.constant 0 : i32
      %dma_wait3A_128 = arith.constant 2 : i32
      %dma_wait3A_129 = arith.constant 2 : i32
      %dma_wait3A_130 = arith.constant 0 : i32
      %dma_wait3A_131 = arith.constant 0 : i32
      %dma_wait3A_132 = tpu.memref_slice %arg6[%dma_wait3A_128, %dma_wait3A_130, %dma_wait3A_131] : memref<4x128x128xf32, #tpu.memory_space<vmem>> -> memref<1x128x128xf32, #tpu.memory_space<vmem>>
      %dma_wait3A_133 = tpu.memref_squeeze %dma_wait3A_132 : memref<1x128x128xf32, #tpu.memory_space<vmem>> -> memref<128x128xf32, #tpu.memory_space<vmem>>
      %dma_wait3A_134 = arith.constant 0 : i32
      %dma_wait3A_135 = tpu.memref_slice %arg5[%dma_wait3A_127, %dma_wait3A_134] : memref<56x128xi32, #tpu.memory_space<vmem>> -> memref<1x128xi32, #tpu.memory_space<vmem>>
      %dma_wait3A_136 = tpu.memref_squeeze %dma_wait3A_135 : memref<1x128xi32, #tpu.memory_space<vmem>> -> memref<128xi32, #tpu.memory_space<vmem>>
      %dma_wait3A_137 = arith.constant 0 : i32
      %dma_wait3A_138 = arith.constant 0 : i32
      %dma_wait3A_139 = tpu.memref_slice %arg3[%dma_wait3A_137, %dma_wait3A_138] : memref<100000x128xf32, #tpu.memory_space<hbm>> -> memref<100000x128xf32, #tpu.memory_space<hbm>>
      %dma_wait3A_140 = tpu.memref_slice %arg7[%dma_wait3A_129] : memref<4x!tpu.dma_semaphore, #tpu.memory_space<semaphore_mem>> -> memref<1x!tpu.dma_semaphore, #tpu.memory_space<semaphore_mem>>
      %dma_wait3A_141 = tpu.memref_squeeze %dma_wait3A_140 : memref<1x!tpu.dma_semaphore, #tpu.memory_space<semaphore_mem>> -> memref<!tpu.dma_semaphore, #tpu.memory_space<semaphore_mem>>
      tpu.wait_indirect_dma semaphore(%dma_wait3A_141 : memref<!tpu.dma_semaphore, #tpu.memory_space<semaphore_mem>>) src(%dma_wait3A_139 : memref<100000x128xf32, #tpu.memory_space<hbm>>) dst(%dma_wait3A_133 : memref<128x128xf32, #tpu.memory_space<vmem>>)
      %mul3A_142 = arith.constant 128 : i32
      %mul3A_143 = arith.muli %add3A_126, %mul3A_142 : i32
      %add3A_144 = arith.addi %mul3A_2, %mul3A_143 : i32
      %multiple_of3A_145 = tpu.assume_multiple %add3A_144, 128 : i32
      %run_scoped3A_146 = arith.constant 2 : i32
      "tpu.region"() ({
        %run_scoped3A_183 = tpu.sem_alloc : memref<!tpu.dma_semaphore, #tpu.memory_space<semaphore_mem>>
        %dma_start3A_184 = arith.constant 0 : i32
        %dma_start3A_185 = arith.constant 0 : i32
        %dma_start3A_186 = tpu.memref_slice %arg6[%run_scoped3A_146, %dma_start3A_184, %dma_start3A_185] : memref<4x128x128xf32, #tpu.memory_space<vmem>> -> memref<1x128x128xf32, #tpu.memory_space<vmem>>
        %dma_start3A_187 = tpu.memref_squeeze %dma_start3A_186 : memref<1x128x128xf32, #tpu.memory_space<vmem>> -> memref<128x128xf32, #tpu.memory_space<vmem>>
        %dma_start3A_188 = arith.constant 0 : i32
        %dma_start3A_189 = tpu.memref_slice %arg4[%multiple_of3A_145, %dma_start3A_188] : memref<229376x128xf32, #tpu.memory_space<hbm>> -> memref<128x128xf32, #tpu.memory_space<hbm>>
        %dma_start3A_190 = arith.constant 0 : i32
        %dma_start3A_191 = tpu.memref_slice %arg4[%multiple_of3A_145, %dma_start3A_190] : memref<229376x128xf32, #tpu.memory_space<hbm>> -> memref<128x128xf32, #tpu.memory_space<hbm>>
        %dma_start3A_192 = arith.constant 0 : i32
        %dma_start3A_193 = arith.constant 0 : i32
        %dma_start3A_194 = tpu.memref_slice %arg6[%run_scoped3A_146, %dma_start3A_192, %dma_start3A_193] : memref<4x128x128xf32, #tpu.memory_space<vmem>> -> memref<1x128x128xf32, #tpu.memory_space<vmem>>
        %dma_start3A_195 = tpu.memref_squeeze %dma_start3A_194 : memref<1x128x128xf32, #tpu.memory_space<vmem>> -> memref<128x128xf32, #tpu.memory_space<vmem>>
        tpu.enqueue_dma source(%dma_start3A_195 : memref<128x128xf32, #tpu.memory_space<vmem>>) target(%dma_start3A_191 : memref<128x128xf32, #tpu.memory_space<hbm>>) target_semaphore(%run_scoped3A_183 : memref<!tpu.dma_semaphore, #tpu.memory_space<semaphore_mem>>)
        %dma_wait3A_196 = arith.constant 0 : i32
        %dma_wait3A_197 = arith.constant 0 : i32
        %dma_wait3A_198 = tpu.memref_slice %arg6[%run_scoped3A_146, %dma_wait3A_196, %dma_wait3A_197] : memref<4x128x128xf32, #tpu.memory_space<vmem>> -> memref<1x128x128xf32, #tpu.memory_space<vmem>>
        %dma_wait3A_199 = tpu.memref_squeeze %dma_wait3A_198 : memref<1x128x128xf32, #tpu.memory_space<vmem>> -> memref<128x128xf32, #tpu.memory_space<vmem>>
        %dma_wait3A_200 = arith.constant 0 : i32
        %dma_wait3A_201 = tpu.memref_slice %arg4[%multiple_of3A_145, %dma_wait3A_200] : memref<229376x128xf32, #tpu.memory_space<hbm>> -> memref<128x128xf32, #tpu.memory_space<hbm>>
        %dma_wait3A_202 = arith.constant 0 : i32
        %dma_wait3A_203 = tpu.memref_slice %arg4[%multiple_of3A_145, %dma_wait3A_202] : memref<229376x128xf32, #tpu.memory_space<hbm>> -> memref<128x128xf32, #tpu.memory_space<hbm>>
        %dma_wait3A_204 = arith.constant 0 : i32
        %dma_wait3A_205 = arith.constant 0 : i32
        %dma_wait3A_206 = tpu.memref_slice %arg6[%run_scoped3A_146, %dma_wait3A_204, %dma_wait3A_205] : memref<4x128x128xf32, #tpu.memory_space<vmem>> -> memref<1x128x128xf32, #tpu.memory_space<vmem>>
        %dma_wait3A_207 = tpu.memref_squeeze %dma_wait3A_206 : memref<1x128x128xf32, #tpu.memory_space<vmem>> -> memref<128x128xf32, #tpu.memory_space<vmem>>
        tpu.wait_dma2 semaphore(%run_scoped3A_183 : memref<!tpu.dma_semaphore, #tpu.memory_space<semaphore_mem>>) src(%dma_wait3A_207 : memref<128x128xf32, #tpu.memory_space<vmem>>) dst(%dma_wait3A_203 : memref<128x128xf32, #tpu.memory_space<hbm>>)
        tpu.yield
      }) : () -> ()
      %add3A_147 = arith.constant 4 : i32
      %add3A_148 = arith.addi %add3A_126, %add3A_147 : i32
      %lt3A_149 = arith.constant 56 : i32
      %lt3A_150 = arith.cmpi slt, %add3A_148, %lt3A_149 : i32
      %convert_element_type3A_151 = arith.extui %lt3A_150 : i1 to i32
      %cond3A_152 = arith.constant 0 : i32
      %cond3A_153 = arith.cmpi ne, %convert_element_type3A_151, %cond3A_152 : i32
      scf.if %cond3A_153 {
        %add3A_183 = arith.constant 4 : i32
        %add3A_184 = arith.addi %add3A_126, %add3A_183 : i32
        %dma_start3A_185 = arith.constant 2 : i32
        %dma_start3A_186 = arith.constant 2 : i32
        %dma_start3A_187 = arith.constant 0 : i32
        %dma_start3A_188 = arith.constant 0 : i32
        %dma_start3A_189 = tpu.memref_slice %arg6[%dma_start3A_185, %dma_start3A_187, %dma_start3A_188] : memref<4x128x128xf32, #tpu.memory_space<vmem>> -> memref<1x128x128xf32, #tpu.memory_space<vmem>>
        %dma_start3A_190 = tpu.memref_squeeze %dma_start3A_189 : memref<1x128x128xf32, #tpu.memory_space<vmem>> -> memref<128x128xf32, #tpu.memory_space<vmem>>
        %dma_start3A_191 = arith.constant 0 : i32
        %dma_start3A_192 = tpu.memref_slice %arg5[%add3A_184, %dma_start3A_191] : memref<56x128xi32, #tpu.memory_space<vmem>> -> memref<1x128xi32, #tpu.memory_space<vmem>>
        %dma_start3A_193 = tpu.memref_squeeze %dma_start3A_192 : memref<1x128xi32, #tpu.memory_space<vmem>> -> memref<128xi32, #tpu.memory_space<vmem>>
        %dma_start3A_194 = arith.constant 0 : i32
        %dma_start3A_195 = arith.constant 0 : i32
        %dma_start3A_196 = tpu.memref_slice %arg3[%dma_start3A_194, %dma_start3A_195] : memref<100000x128xf32, #tpu.memory_space<hbm>> -> memref<100000x128xf32, #tpu.memory_space<hbm>>
        %dma_start3A_197 = tpu.memref_slice %arg7[%dma_start3A_186] : memref<4x!tpu.dma_semaphore, #tpu.memory_space<semaphore_mem>> -> memref<1x!tpu.dma_semaphore, #tpu.memory_space<semaphore_mem>>
        %dma_start3A_198 = tpu.memref_squeeze %dma_start3A_197 : memref<1x!tpu.dma_semaphore, #tpu.memory_space<semaphore_mem>> -> memref<!tpu.dma_semaphore, #tpu.memory_space<semaphore_mem>>
        tpu.enqueue_indirect_dma source(%dma_start3A_196 : memref<100000x128xf32, #tpu.memory_space<hbm>>) target(%dma_start3A_190 : memref<128x128xf32, #tpu.memory_space<vmem>>) offsets(%dma_start3A_193 : memref<128xi32, #tpu.memory_space<vmem>>) semaphore(%dma_start3A_198 : memref<!tpu.dma_semaphore, #tpu.memory_space<semaphore_mem>>)
      } else {
      }
      %add3A_154 = arith.constant 3 : i32
      %add3A_155 = arith.addi %mul3A_72, %add3A_154 : i32
      %dma_wait3A_156 = arith.constant 0 : i32
      %dma_wait3A_157 = arith.constant 3 : i32
      %dma_wait3A_158 = arith.constant 3 : i32
      %dma_wait3A_159 = arith.constant 0 : i32
      %dma_wait3A_160 = arith.constant 0 : i32
      %dma_wait3A_161 = tpu.memref_slice %arg6[%dma_wait3A_157, %dma_wait3A_159, %dma_wait3A_160] : memref<4x128x128xf32, #tpu.memory_space<vmem>> -> memref<1x128x128xf32, #tpu.memory_space<vmem>>
      %dma_wait3A_162 = tpu.memref_squeeze %dma_wait3A_161 : memref<1x128x128xf32, #tpu.memory_space<vmem>> -> memref<128x128xf32, #tpu.memory_space<vmem>>
      %dma_wait3A_163 = arith.constant 0 : i32
      %dma_wait3A_164 = tpu.memref_slice %arg5[%dma_wait3A_156, %dma_wait3A_163] : memref<56x128xi32, #tpu.memory_space<vmem>> -> memref<1x128xi32, #tpu.memory_space<vmem>>
      %dma_wait3A_165 = tpu.memref_squeeze %dma_wait3A_164 : memref<1x128xi32, #tpu.memory_space<vmem>> -> memref<128xi32, #tpu.memory_space<vmem>>
      %dma_wait3A_166 = arith.constant 0 : i32
      %dma_wait3A_167 = arith.constant 0 : i32
      %dma_wait3A_168 = tpu.memref_slice %arg3[%dma_wait3A_166, %dma_wait3A_167] : memref<100000x128xf32, #tpu.memory_space<hbm>> -> memref<100000x128xf32, #tpu.memory_space<hbm>>
      %dma_wait3A_169 = tpu.memref_slice %arg7[%dma_wait3A_158] : memref<4x!tpu.dma_semaphore, #tpu.memory_space<semaphore_mem>> -> memref<1x!tpu.dma_semaphore, #tpu.memory_space<semaphore_mem>>
      %dma_wait3A_170 = tpu.memref_squeeze %dma_wait3A_169 : memref<1x!tpu.dma_semaphore, #tpu.memory_space<semaphore_mem>> -> memref<!tpu.dma_semaphore, #tpu.memory_space<semaphore_mem>>
      tpu.wait_indirect_dma semaphore(%dma_wait3A_170 : memref<!tpu.dma_semaphore, #tpu.memory_space<semaphore_mem>>) src(%dma_wait3A_168 : memref<100000x128xf32, #tpu.memory_space<hbm>>) dst(%dma_wait3A_162 : memref<128x128xf32, #tpu.memory_space<vmem>>)
      %mul3A_171 = arith.constant 128 : i32
      %mul3A_172 = arith.muli %add3A_155, %mul3A_171 : i32
      %add3A_173 = arith.addi %mul3A_2, %mul3A_172 : i32
      %multiple_of3A_174 = tpu.assume_multiple %add3A_173, 128 : i32
      %run_scoped3A_175 = arith.constant 3 : i32
      "tpu.region"() ({
        %run_scoped3A_183 = tpu.sem_alloc : memref<!tpu.dma_semaphore, #tpu.memory_space<semaphore_mem>>
        %dma_start3A_184 = arith.constant 0 : i32
        %dma_start3A_185 = arith.constant 0 : i32
        %dma_start3A_186 = tpu.memref_slice %arg6[%run_scoped3A_175, %dma_start3A_184, %dma_start3A_185] : memref<4x128x128xf32, #tpu.memory_space<vmem>> -> memref<1x128x128xf32, #tpu.memory_space<vmem>>
        %dma_start3A_187 = tpu.memref_squeeze %dma_start3A_186 : memref<1x128x128xf32, #tpu.memory_space<vmem>> -> memref<128x128xf32, #tpu.memory_space<vmem>>
        %dma_start3A_188 = arith.constant 0 : i32
        %dma_start3A_189 = tpu.memref_slice %arg4[%multiple_of3A_174, %dma_start3A_188] : memref<229376x128xf32, #tpu.memory_space<hbm>> -> memref<128x128xf32, #tpu.memory_space<hbm>>
        %dma_start3A_190 = arith.constant 0 : i32
        %dma_start3A_191 = tpu.memref_slice %arg4[%multiple_of3A_174, %dma_start3A_190] : memref<229376x128xf32, #tpu.memory_space<hbm>> -> memref<128x128xf32, #tpu.memory_space<hbm>>
        %dma_start3A_192 = arith.constant 0 : i32
        %dma_start3A_193 = arith.constant 0 : i32
        %dma_start3A_194 = tpu.memref_slice %arg6[%run_scoped3A_175, %dma_start3A_192, %dma_start3A_193] : memref<4x128x128xf32, #tpu.memory_space<vmem>> -> memref<1x128x128xf32, #tpu.memory_space<vmem>>
        %dma_start3A_195 = tpu.memref_squeeze %dma_start3A_194 : memref<1x128x128xf32, #tpu.memory_space<vmem>> -> memref<128x128xf32, #tpu.memory_space<vmem>>
        tpu.enqueue_dma source(%dma_start3A_195 : memref<128x128xf32, #tpu.memory_space<vmem>>) target(%dma_start3A_191 : memref<128x128xf32, #tpu.memory_space<hbm>>) target_semaphore(%run_scoped3A_183 : memref<!tpu.dma_semaphore, #tpu.memory_space<semaphore_mem>>)
        %dma_wait3A_196 = arith.constant 0 : i32
        %dma_wait3A_197 = arith.constant 0 : i32
        %dma_wait3A_198 = tpu.memref_slice %arg6[%run_scoped3A_175, %dma_wait3A_196, %dma_wait3A_197] : memref<4x128x128xf32, #tpu.memory_space<vmem>> -> memref<1x128x128xf32, #tpu.memory_space<vmem>>
        %dma_wait3A_199 = tpu.memref_squeeze %dma_wait3A_198 : memref<1x128x128xf32, #tpu.memory_space<vmem>> -> memref<128x128xf32, #tpu.memory_space<vmem>>
        %dma_wait3A_200 = arith.constant 0 : i32
        %dma_wait3A_201 = tpu.memref_slice %arg4[%multiple_of3A_174, %dma_wait3A_200] : memref<229376x128xf32, #tpu.memory_space<hbm>> -> memref<128x128xf32, #tpu.memory_space<hbm>>
        %dma_wait3A_202 = arith.constant 0 : i32
        %dma_wait3A_203 = tpu.memref_slice %arg4[%multiple_of3A_174, %dma_wait3A_202] : memref<229376x128xf32, #tpu.memory_space<hbm>> -> memref<128x128xf32, #tpu.memory_space<hbm>>
        %dma_wait3A_204 = arith.constant 0 : i32
        %dma_wait3A_205 = arith.constant 0 : i32
        %dma_wait3A_206 = tpu.memref_slice %arg6[%run_scoped3A_175, %dma_wait3A_204, %dma_wait3A_205] : memref<4x128x128xf32, #tpu.memory_space<vmem>> -> memref<1x128x128xf32, #tpu.memory_space<vmem>>
        %dma_wait3A_207 = tpu.memref_squeeze %dma_wait3A_206 : memref<1x128x128xf32, #tpu.memory_space<vmem>> -> memref<128x128xf32, #tpu.memory_space<vmem>>
        tpu.wait_dma2 semaphore(%run_scoped3A_183 : memref<!tpu.dma_semaphore, #tpu.memory_space<semaphore_mem>>) src(%dma_wait3A_207 : memref<128x128xf32, #tpu.memory_space<vmem>>) dst(%dma_wait3A_203 : memref<128x128xf32, #tpu.memory_space<hbm>>)
        tpu.yield
      }) : () -> ()
      %add3A_176 = arith.constant 4 : i32
      %add3A_177 = arith.addi %add3A_155, %add3A_176 : i32
      %lt3A_178 = arith.constant 56 : i32
      %lt3A_179 = arith.cmpi slt, %add3A_177, %lt3A_178 : i32
      %convert_element_type3A_180 = arith.extui %lt3A_179 : i1 to i32
      %cond3A_181 = arith.constant 0 : i32
      %cond3A_182 = arith.cmpi ne, %convert_element_type3A_180, %cond3A_181 : i32
      scf.if %cond3A_182 {
        %add3A_183 = arith.constant 4 : i32
        %add3A_184 = arith.addi %add3A_155, %add3A_183 : i32
        %dma_start3A_185 = arith.constant 3 : i32
        %dma_start3A_186 = arith.constant 3 : i32
        %dma_start3A_187 = arith.constant 0 : i32
        %dma_start3A_188 = arith.constant 0 : i32
        %dma_start3A_189 = tpu.memref_slice %arg6[%dma_start3A_185, %dma_start3A_187, %dma_start3A_188] : memref<4x128x128xf32, #tpu.memory_space<vmem>> -> memref<1x128x128xf32, #tpu.memory_space<vmem>>
        %dma_start3A_190 = tpu.memref_squeeze %dma_start3A_189 : memref<1x128x128xf32, #tpu.memory_space<vmem>> -> memref<128x128xf32, #tpu.memory_space<vmem>>
        %dma_start3A_191 = arith.constant 0 : i32
        %dma_start3A_192 = tpu.memref_slice %arg5[%add3A_184, %dma_start3A_191] : memref<56x128xi32, #tpu.memory_space<vmem>> -> memref<1x128xi32, #tpu.memory_space<vmem>>
        %dma_start3A_193 = tpu.memref_squeeze %dma_start3A_192 : memref<1x128xi32, #tpu.memory_space<vmem>> -> memref<128xi32, #tpu.memory_space<vmem>>
        %dma_start3A_194 = arith.constant 0 : i32
        %dma_start3A_195 = arith.constant 0 : i32
        %dma_start3A_196 = tpu.memref_slice %arg3[%dma_start3A_194, %dma_start3A_195] : memref<100000x128xf32, #tpu.memory_space<hbm>> -> memref<100000x128xf32, #tpu.memory_space<hbm>>
        %dma_start3A_197 = tpu.memref_slice %arg7[%dma_start3A_186] : memref<4x!tpu.dma_semaphore, #tpu.memory_space<semaphore_mem>> -> memref<1x!tpu.dma_semaphore, #tpu.memory_space<semaphore_mem>>
        %dma_start3A_198 = tpu.memref_squeeze %dma_start3A_197 : memref<1x!tpu.dma_semaphore, #tpu.memory_space<semaphore_mem>> -> memref<!tpu.dma_semaphore, #tpu.memory_space<semaphore_mem>>
        tpu.enqueue_indirect_dma source(%dma_start3A_196 : memref<100000x128xf32, #tpu.memory_space<hbm>>) target(%dma_start3A_190 : memref<128x128xf32, #tpu.memory_space<vmem>>) offsets(%dma_start3A_193 : memref<128xi32, #tpu.memory_space<vmem>>) semaphore(%dma_start3A_198 : memref<!tpu.dma_semaphore, #tpu.memory_space<semaphore_mem>>)
      } else {
      }
    }
    %scan3A_65 = arith.constant 14 : i32
    return
  }
}

module attributes {stable_mosaic.version = 14 : i64} {
  func.func @_transpose_pad_kernel(%arg0: i32, %arg1: memref<100x2048xf32, #tpu.memory_space<vmem>>, %arg2: memref<100x100xf32, #tpu.memory_space<vmem>>, %arg3: memref<2048x128xf32, #tpu.memory_space<vmem>>) attributes {dimension_semantics = [#tpu.dimension_semantics<arbitrary>], iteration_bounds = array<i64: 49>, scalar_prefetch = 0 : i64, scratch_operands = 0 : i64, tpu.core_type = #tpu.core_type<tc>, window_params = [{transform_indices = @transform_0, window_bounds = array<i64: 100, 2048>}, {pipeline_mode = #tpu.pipeline_mode<synchronous>, transform_indices = @transform_1, window_bounds = array<i64: 100, 100>}, {transform_indices = @transform_2, window_bounds = array<i64: 2048, 128>}]} {
    %get3A = arith.constant 0 : index
    %get3A_0 = arith.constant 0 : index
    %get3A_1 = vector.load %arg1[%get3A, %get3A_0] : memref<100x2048xf32, #tpu.memory_space<vmem>>, vector<100x2048xf32>
    %get3A_2 = arith.constant 0 : index
    %get3A_3 = arith.constant 0 : index
    %get3A_4 = vector.load %arg2[%get3A_2, %get3A_3] : memref<100x100xf32, #tpu.memory_space<vmem>>, vector<100x100xf32>
    %dot_general3A = arith.constant dense<0.000000e+00> : vector<2048x100xf32>
    %dot_general3A_5 = tpu.matmul %get3A_1, %get3A_4, %dot_general3A {dimension_numbers = #tpu.dot_dimension_numbers<[0], [0], [1], [1], [0, 1, 1, 1], [], []>, precision = #tpu.contract_precision<fp32>, transpose_lhs_hint = false} : vector<100x2048xf32>, vector<100x100xf32>, vector<2048x100xf32> -> vector<2048x100xf32>
    %broadcast_in_dim3A = arith.constant 0.000000e+00 : f32
    %broadcast_in_dim3A_6 = vector.broadcast %broadcast_in_dim3A : f32 to vector<2048x28xf32>
    %concatenate3A = tpu.concatenate %dot_general3A_5, %broadcast_in_dim3A_6 in 1 : vector<2048x100xf32>, vector<2048x28xf32> -> vector<2048x128xf32>
    %swap3A = arith.constant 0 : index
    %swap3A_7 = arith.constant 0 : index
    %swap3A_8 = vector.load %arg3[%swap3A, %swap3A_7] : memref<2048x128xf32, #tpu.memory_space<vmem>>, vector<2048x128xf32>
    tpu.vector_store %arg3[%swap3A, %swap3A_7], %concatenate3A {strides = array<i32>} : memref<2048x128xf32, #tpu.memory_space<vmem>>, vector<2048x128xf32>,
    return
  }
  func.func @transform_0(%arg0: i32) -> (i32, i32) {
    %c0_i32 = arith.constant 0 : i32
    %c0_i32_0 = arith.constant 0 : i32
    return %c0_i32, %arg0 : i32, i32
  }
  func.func @transform_1(%arg0: i32) -> (i32, i32) {
    %c0_i32 = arith.constant 0 : i32
    %c0_i32_0 = arith.constant 0 : i32
    %c0_i32_1 = arith.constant 0 : i32
    return %c0_i32, %c0_i32_0 : i32, i32
  }
  func.func @transform_2(%arg0: i32) -> (i32, i32) {
    %c0_i32 = arith.constant 0 : i32
    %c0_i32_0 = arith.constant 0 : i32
    return %arg0, %c0_i32 : i32, i32
  }
}

</mosaic_0001>

<sc_bundles>
// kernel: kernel.4.cloned.1.call-start
scs
__scs_entry_jumppad:
0x0: {  	(pc) =	sbr.rel $0x88, $3  }
0x1: {  	(tag) =	ssettag $0x0;
	lr =	simm.s32 $0x1  }
0x2: {  	[smem:$0x3F9F] =	sst lr;
	_ =	strace $0xD0000000  }
0x3: {  	_ = 	snop  }
0x4: {  	_ = 	snop  }
0x5: {  	_ = 	snop  }
0x6: {  	_ = 	snop  }
0x7: {  	_ = 	snop  }
__scs_overlays_trampoline_lowered:
0x8: {  	[smem:$0x3FAE] =	sst s0  }
0x9: {  	[smem:$0x3FAF] =	sst s1  }
0xa: {  	[smem:$0x3FB0] =	sst s2  }
0xb: {  	[smem:$0x3FB1] =	sst s3  }
0xc: {  	[smem:$0x3FB2] =	sst s4  }
0xd: {  	[smem:$0x3FB3] =	sst s5  }
0xe: {  	[smem:$0x3FB4] =	sst s6  }
0xf: {  	[smem:$0x3FB5] =	sst s7  }
0x10: {  	[smem:$0x3FB6] =	sst s8  }
0x11: {  	[smem:$0x3FB7] =	sst s9;
	s0 =	simm.s32 @!p0 $0x0  }
0x12: {  	s1 =	sld [smem:$0x3F9D];
	s0 =	simm.s32 @p0 $0x1  }
0x13: {  	[smem:$0x3FB8] =	sst s0;
	s0 =	simm.s32 @!p1 $0x0  }
0x14: {  	s2 =	sld [smem:$0x3F9C];
	s0 =	simm.s32 @p1 $0x1  }
0x15: {  	[smem:$0x3FB9] =	sst s0;
	s0 =	simm.s32 @!p2 $0x0  }
0x16: {  	s3 =	sld [smem:$0x3FDB];
	s0 =	simm.s32 @p2 $0x1  }
0x17: {  	s4 =	simm.s32 $0x1BF5;
	[smem:$0x3FBB] =	sst s0  }
0x18: {  	s0 =	sld [smem:$0x3F9E];
	_ =	swait.ge [sflag:s4], $0x0  }
0x19: {  	s7 =	sld [smem:$0x3F9F]  }
0x1a: {  	s8 =	sadd.s32 $0xFFFFE003, lr  }
0x1b: {  	s9 =	sadd.s32 $0xFFFFFEF7, lr;
	s5 =	simm.s32 $0xFFFFFFFF;
	p2 =	slt.u32 s8, $0xFFFFF086  }
0x1c: {  	p1 =	slt.u32 s9, $0xF7A;
	s5 =	simm.s32 @!p2 $0x0  }
0x1d: {  	s5 =	simm.s32 @p1 $0x1;
	p0 =	seq.s32 s7, s2  }
0x1e: {  	s7 =	smul.u32 @!p0 $0xF7A, s2;
	p2 =	seq.s32 @!p0 s5, $0x0  }
0x1f: {  	s9 =	smul.u32 $0xF7A, s1;
	s8 =	simm.s32 @!p0 $0x1BF5;
	p2 =	por !p2, p0  }
0x20: {  	[sflag:s8] =	ssyncset.s32 @!p0 $0xFFFFF086;
	s6 =	sadd.s32 @!p0 s3, s7;
	s7 =	simm.s32 @!p0 $0x108  }
0x21: {  	s3 =	sadd.s32 s3, s9;
	s6 =	sadd.s32 @!p0 $0x88, s6;
	s7 =	simm.s32 @p2 $0x1082  }
0x22: {  	[simem:s7], [sflag:s8] =	dma.local @!p0 [hbm:s6], $0xF7A  }
0x23: {  	s9 =	sor.u32 $0xD0000000, s2;
	s6 =	simm.s32 $0x108;
	_ =	swait.ge @!p0 [sflag:s8], $0x0  }
0x24: {  	s3 =	sadd.s32 $0x88, s3;
	s6 =	simm.s32 @!p1 $0x1082;
	[sflag:s4] =	ssyncset.s32 $0xFFFFF086  }
0x25: {  	[simem:s6], [sflag:s4] =	dma.local [hbm:s3], $0xF7A  }
0x26: {  	[smem:$0x3F9F] =	sst s1;
	(tag) =	ssettag s2;
	_ =	strace s9  }
0x27: {  	s1 =	sld [smem:$0x3FAF]  }
0x28: {  	s2 =	sld [smem:$0x3FB0]  }
0x29: {  	s4 =	sld [smem:$0x3FB2]  }
0x2a: {  	p0 =	seq.s32 s5, $0x0;
	s5 =	sld [smem:$0x3FB3]  }
0x2b: {  	s6 =	sld [smem:$0x3FB4]  }
0x2c: {  	s7 =	sld [smem:$0x3FB5]  }
0x2d: {  	s3 =	simm.s32 $0x108;
	s8 =	sld [smem:$0x3FB6]  }
0x2e: {  	s3 =	simm.s32 @!p0 $0x1082;
	s9 =	sld [smem:$0x3FB7]  }
0x2f: {  	lr =	sadd.s32 s0, s3;
	s0 =	sld [smem:$0x3FAE]  }
0x30: {  	s3 =	sld [smem:$0x3FB1]  }
0x31: {  	[smem:$0x3FBA] =	sst s10  }
0x32: {  	s10 =	sld [smem:$0x3FB8];
	_ =	sdelay $0x3  }
0x33: {  	p0 =	seq.s32 s10, $0x1;
	s10 =	sld [smem:$0x3FBA];
	_ =	sdelay $0x3  }
0x34: {  	[smem:$0x3FBA] =	sst s10  }
0x35: {  	s10 =	sld [smem:$0x3FB9];
	_ =	sdelay $0x3  }
0x36: {  	p1 =	seq.s32 s10, $0x1;
	s10 =	sld [smem:$0x3FBA];
	_ =	sdelay $0x3  }
0x37: {  	[smem:$0x3FBA] =	sst s10  }
0x38: {  	s10 =	sld [smem:$0x3FBB]  }
0x39: {  	_ = 	snop;
	(pc) =	sbr.ind lr, $3  }
0x3a: {  	_ = 	snop  }
0x3b: {  	_ = 	snop  }
0x3c: {  	p2 =	seq.s32 s10, $0x1;
	s10 =	sld [smem:$0x3FBA]  }
0x3d: {  	_ =	shalt  }
0x3e: {  	_ =	shalt  }
0x3f: {  	_ =	shalt  }
0x40: {  	_ =	shalt  }
0x41: {  	_ =	shalt  }
0x42: {  	_ =	shalt  }
0x43: {  	_ =	shalt  }
0x44: {  	_ =	shalt  }
0x45: {  	_ =	shalt  }
0x46: {  	_ =	shalt  }
0x47: {  	_ =	shalt  }
0x48: {  	_ =	shalt  }
0x49: {  	_ =	shalt  }
0x4a: {  	_ =	shalt  }
0x4b: {  	_ =	shalt  }
0x4c: {  	_ =	shalt  }
0x4d: {  	_ =	shalt  }
0x4e: {  	_ =	shalt  }
0x4f: {  	_ =	shalt  }
0x50: {  	_ =	shalt  }
0x51: {  	_ =	shalt  }
0x52: {  	_ =	shalt  }
0x53: {  	_ =	shalt  }
0x54: {  	_ =	shalt  }
0x55: {  	_ =	shalt  }
0x56: {  	_ =	shalt  }
0x57: {  	_ =	shalt  }
0x58: {  	_ =	shalt  }
0x59: {  	_ =	shalt  }
0x5a: {  	_ =	shalt  }
0x5b: {  	_ =	shalt  }
0x5c: {  	_ =	shalt  }
0x5d: {  	_ =	shalt  }
0x5e: {  	_ =	shalt  }
0x5f: {  	_ =	shalt  }
0x60: {  	_ =	shalt  }
0x61: {  	_ =	shalt  }
0x62: {  	_ =	shalt  }
0x63: {  	_ =	shalt  }
0x64: {  	_ =	shalt  }
0x65: {  	_ =	shalt  }
0x66: {  	_ =	shalt  }
0x67: {  	_ =	shalt  }
0x68: {  	_ =	shalt  }
0x69: {  	_ =	shalt  }
0x6a: {  	_ =	shalt  }
0x6b: {  	_ =	shalt  }
0x6c: {  	_ =	shalt  }
0x6d: {  	_ =	shalt  }
0x6e: {  	_ =	shalt  }
0x6f: {  	_ =	shalt  }
0x70: {  	_ =	shalt  }
0x71: {  	_ =	shalt  }
0x72: {  	_ =	shalt  }
0x73: {  	_ =	shalt  }
0x74: {  	_ =	shalt  }
0x75: {  	_ =	shalt  }
0x76: {  	_ =	shalt  }
0x77: {  	_ =	shalt  }
0x78: {  	_ =	shalt  }
0x79: {  	_ =	shalt  }
0x7a: {  	_ =	shalt  }
0x7b: {  	_ =	shalt  }
0x7c: {  	_ =	shalt  }
0x7d: {  	_ =	shalt  }
0x7e: {  	_ =	shalt  }
0x7f: {  	_ =	shalt  }
0x80: {  	_ =	shalt  }
0x81: {  	_ =	shalt  }
0x82: {  	_ =	shalt  }
0x83: {  	_ =	shalt  }
0x84: {  	_ =	shalt  }
0x85: {  	_ =	shalt  }
0x86: {  	_ =	shalt  }
0x87: {  	_ =	shalt  }
.Lfunc_end0:
.L_simem_size_0:
called_computation.1_lowered:
.L_overlay_start_0:
0x88: {  	s2 =	sld [smem:$0x3FD9]  }
0x89: {  	s3 =	sld [smem:$0x3FFE];
	_ =	sdelay $0x1  }
0x8a: {  	s1 =	srdreg.scid  }
0x8b: {  	s0 =	sand.u32 $0x1, s1  }
0x8c: {  	s17 =	sshll.u32 s0, $0xA;
	s2 =	sadd.s32 s3, s2  }
0x8d: {  	s2 =	sadd.s32 s2, s17  }
0x8e: {  	[smem:$0x3FC6] =	sst s2  }
0x8f: {  	_ = 	snop  }
0x90: {  	s2 =	sld [smem:$0x3FD0];
	(tm) =	ssettm $0x1  }
0x91: {  	s18 =	sld [smem:$0x3FFB];
	_ =	sdelay $0x3  }
0x92: {  	_ =	strace s18  }
0x93: {  	s3 =	sld [smem:$0x3FFC];
	_ =	sdelay $0x3  }
0x94: {  	_ =	strace s3  }
0x95: {  	s3 =	sld [smem:$0x3FFD];
	_ =	sdelay $0x3  }
0x96: {  	_ =	strace s3  }
0x97: {  	_ =	strace $0x8FFFFFFF  }
0x98: {  	s19 =	sld [smem:$0x3FDB];
	_ =	sdelay $0x1  }
0x99: {  	s4 =	simm.s32 $_scs_section_size  }
0x9a: {  	s5 =	simm.s32 $_size__tile_overlayer_lowered;
	s6 =	simm.s32 $_tile_overlayer_lowered  }
0x9b: {  	s22 =	simm.s32 $0x1BFF;
	s21 =	sshll.u32 s6, $0x1;
	s3 =	sadd.s32 s4, s19  }
0x9c: {  	s7 =	simm.s32 $0x0;
	s20 =	sshll.u32 s5, $0x1;
	s5 =	sadd.s32 s21, s3  }
0x9d: {  	[timem:s7], [sflag:s22] =	dma.local [hbm:s5], s20  }
0x9e: {  	_ =	swait.ge [sflag:s22], s20  }
0x9f: {  	s4 =	ssub.s32 $0x0, s20;
	[sflag:s22] =	ssyncset.done $0x0  }
0xa0: {  	[sflag:s22] =	ssyncadd.s32 s4;
	_ =	sdelay $0x1  }
0xa1: {  	s23 =	simm.s32 $0x1B8B  }
0xa2: {  	_ =	swait.ge [sflag:s23], $0x1  }
0xa3: {  	[sflag:s23] =	ssyncset.done $0x0  }
0xa4: {  	s25 =	simm.s32 $0x1B8E;
	s24 =	sld [smem:$0x3FFE];
	[sflag:s23] =	ssyncadd.s32 $0xFFFFFFFF  }
0xa5: {  	s26 =	simm.s32 $execute0_lowered;
	[smem:$0x3FD2] =	sst s25  }
0xa6: {  	s5 =	sshll.u32 s26, $0x1;
	_ =	strace $0x80000046;
	[dreg:$0x1] =	wrdreg $0xFFFFFFFF  }
0xa7: {  	s28 =	simm.s32 $_size_execute0_lowered;
	s3 =	sadd.s32 s3, s5;
	[dreg:$0x0] =	wrdreg $0x0  }
0xa8: {  	s5 =	sshll.u32 s28, $0x1;
	[dreg:$0x2] =	wrdreg s3  }
0xa9: {  	[dreg:$0x3] =	wrdreg s5  }
0xaa: {  	[dreg:$0x4] =	wrdreg $0xC0  }
0xab: {  	_ =	task [dreg:s7], $0x5FFFF  }
0xac: {  	[dreg:$0x1] =	wrdreg $0xFFFFFFFF  }
0xad: {  	[dreg:$0x0] =	wrdreg $0x60  }
0xae: {  	[dreg:$0x2] =	wrdreg s24  }
0xaf: {  	[dreg:$0x3] =	wrdreg s2  }
0xb0: {  	[dreg:$0x4] =	wrdreg $0x9  }
0xb1: {  	_ =	task.clear_ibuf [dreg:s7], $0x5FFFF;
	_ =	strace $0x90000046  }
0xb2: {  	s29 =	simm.s32 $0x9;
	_ =	strace $0x80000048  }
0xb3: {  	_ =	swait.ge [sflag:s29], $0x1  }
0xb4: {  	[sflag:s29] =	ssyncadd.s32 $0xFFFFFFFF  }
0xb5: {  	_ =	strace $0x90000048  }
0xb6: {  	_ =	sfence  }
0xb7: {  	s30 =	sld [smem:$0x0];
	_ =	sdelay $0x2  }
0xb8: {  	s31 =	sshll.u32 s1, $0xD;
	s1 =	sshrl.u32 s1, $0x2  }
0xb9: {  	s3 =	sand.u32 $0x4000, s31;
	s1 =	sadd.s32 s1, s30  }
0xba: {  	s0 =	sor.u32 s3, s0;
	s1 =	sshll.u32 s1, $0x11  }
0xbb: {  	s0 =	sor.u32 s1, s0  }
0xbc: {  	s0 =	sadd.s32 $0x8F2B, s0  }
0xbd: {  	[sflag:s0] =	ssyncadd.remote.s32 $0x1  }
0xbe: {  	_ =	sfence.sel $0xFFFF  }
0xbf: {  	[dreg:$0x0] =	wrdreg $0xFFFFFFFF;
	(pc) =	sbr.abs _section_cstart, $3  }
0xc0: {  	[dreg:$0x1] =	wrdreg $0xFFFFFFFF  }
0xc1: {  	_ =	task.clear_ibuf [dreg:s7], $0x2FFFF;
	_ =	strace $0x9FFFFFFF  }
0xc2: {  	(tm) =	ssettm $0x7FFFFFFF  }
0xc3: {  	_ =	shalt  }
tec
execute0_lowered:
.L_overlay_start_1:
0x0: {  	(tag) =	ssettag $0x1  }
0x1: {  	s1 =	srdreg.scid  }
0x2: {  	s0 =	stileid.u32;
	s4 =	rddreg [dreg:$0x0]  }
0x3: {  	s2 =	rddreg [dreg:$0x1];
	s3 =	simm.s32 $0x0;
	s15 =	simm.s32 $0x5C00  }
0x4: {  	s16 =	simm.s32 $0x100;
	s17 =	simm.s32 $0x9C00;
	s18 =	simm.s32 $0x180  }
0x5: {  	s19 =	simm.s32 $0xDC00;
	s20 =	simm.s32 $0x1;
	s21 =	simm.s32 $0x2  }
0x6: {  	s22 =	simm.s32 $0x3;
	s23 =	simm.s32 $0x4;
	s11 =	smul.u32 $0x1C0000, s0  }
0x7: {  	s24 =	simm.s32 $0x0;
	s9 =	sand.u32 $0x1, s1;
	s14 =	smul.u32 $0x38000, s0  }
0x8: {  	s25 =	sshll.u32 s0, $0x1;
	s1 =	rddreg [dreg:$0x2];
	s13 =	smul.u32 $0xE0000, s9  }
0x9: {  	[smem:$0x7FF] =	sst s3;
	s5 =	sor.u32 s9, s25;
	s30 =	smul.u32 $0x1C000, s9  }
0xa: {  	s10 =	sadd.s32 $0x7800, s4;
	s7 =	ssub.s32 $0x2, s9;
	s6 =	smul.u32 $0x1C00, s5  }
0xb: {  	_ =	strace $0x80000047;
	s26 =	sshrl.u32 s7, $0x1;
	s8 =	smul.u32 $0xE0000, s5  }
0xc: {  	s28 =	smul.u32 $0x1C000, s5;
	s31 =	sadd.s32 s14, s10;
	s14 =	simm.s32 $0x1C00  }
0xd: {  	s7 =	ssub.s32 s7, s26;
	s11 =	sadd.s32 s13, s11;
	s13 =	simm.s32 $0x80  }
0xe: {  	s6 =	sshrl.u32 s6, $0x3;
	s5 =	smax.u32 s7, $0x1;
	s29 =	sshrl.u32 s8, $0x3  }
0xf: {  	s12 =	sadd.s32 s10, s28;
	s11 =	sshrl.u32 s11, $0x3;
	s6 =	sadd.s32 s6, s4  }
0x10: {  	s7 =	sadd.s32 s10, s29;
	s8 =	sadd.s32 $0x1B000, s12;
	s9 =	sadd.s32 $0x1B800, s12  }
0x11: {  	s10 =	sadd.s32 s11, s10;
	s11 =	sadd.s32 s30, s31;
	s4 =	sadd.s32 $0x800, s6  }
0x12: {  	s6 =	sadd.s32 $0x1A000, s7;
	s7 =	sadd.s32 $0x1A800, s12;
	s12 =	simm.s32 $0x5  }
.LBB2_1:
0x13: {  	[tilespmem:s3], [sflag:$0x5] =	stream.linear.gather [hbm4b:s4+s3], $0x1C00, $0x38;
	[tilespmem:$0x11C00] =	vst v63  }
0x14: {  	_ =	swait.ge [sflag:s12], $0x1C00  }
0x15: {  	[sflag:s12] =	ssyncset.done $0x0  }
0x16: {  	[sflag:s12] =	ssyncadd.s32 $0xFFFFE400  }
0x17: {  	[tilespmem:s14], [sflag:$0x1] =	stream.indirect.gather [hbm4b:s2+s13], $0x80, s3, s13, $0xb8;
	[tilespmem:$0x11C00] =	vst v63  }
0x18: {  	_ = 	snop  }
0x19: {  	[tilespmem:s15], [sflag:$0x2] =	stream.indirect.gather [hbm4b:s2+s13], $0x80, s13, s13, $0xb8;
	[tilespmem:$0x11C00] =	vst v63  }
0x1a: {  	_ = 	snop  }
0x1b: {  	[tilespmem:s17], [sflag:$0x3] =	stream.indirect.gather [hbm4b:s2+s13], $0x80, s16, s13, $0xb8;
	[tilespmem:$0x11C00] =	vst v63  }
0x1c: {  	_ = 	snop  }
0x1d: {  	[tilespmem:s19], [sflag:$0x4] =	stream.indirect.gather [hbm4b:s2+s13], $0x80, s18, s13, $0xb8;
	[tilespmem:$0x11C00] =	vst v63  }
0x1e: {  	_ =	swait.ge [sflag:s20], $0x4000  }
0x1f: {  	[sflag:s20] =	ssyncset.done $0x0  }
0x20: {  	s25 =	sadd.s32 $0x0, s10;
	[sflag:s20] =	ssyncadd.s32 $0xFFFFC000  }
0x21: {  	[hbm4b:s25+s3] =	stream.linear.scatter [tilespmem:s14], [sflag:$0x5], $0x4000, $0x38;
	[tilespmem:$0x11C00] =	vst v63  }
0x22: {  	_ =	swait.ge [sflag:s12], $0x4000  }
0x23: {  	[sflag:s12] =	ssyncset.done $0x0  }
0x24: {  	s26 =	simm.s32 $0x200;
	[sflag:s12] =	ssyncadd.s32 $0xFFFFC000  }
0x25: {  	[tilespmem:s14], [sflag:$0x1] =	stream.indirect.gather [hbm4b:s2+s13], $0x80, s26, s13, $0xb8;
	[tilespmem:$0x11C00] =	vst v63  }
0x26: {  	_ =	swait.ge [sflag:s21], $0x4000  }
0x27: {  	s25 =	sadd.s32 $0x0, s11;
	[sflag:s21] =	ssyncset.done $0x0  }
0x28: {  	s26 =	sadd.s32 $0x800, s25;
	[sflag:s21] =	ssyncadd.s32 $0xFFFFC000  }
0x29: {  	[hbm4b:s26+s3] =	stream.linear.scatter [tilespmem:s15], [sflag:$0x5], $0x4000, $0x38;
	[tilespmem:$0x11C00] =	vst v63  }
0x2a: {  	_ =	swait.ge [sflag:s12], $0x4000  }
0x2b: {  	[sflag:s12] =	ssyncset.done $0x0  }
0x2c: {  	s29 =	simm.s32 $0x280;
	[sflag:s12] =	ssyncadd.s32 $0xFFFFC000  }
0x2d: {  	[tilespmem:s15], [sflag:$0x2] =	stream.indirect.gather [hbm4b:s2+s13], $0x80, s29, s13, $0xb8;
	[tilespmem:$0x11C00] =	vst v63  }
0x2e: {  	_ =	swait.ge [sflag:s22], $0x4000  }
0x2f: {  	[sflag:s22] =	ssyncset.done $0x0  }
0x30: {  	s30 =	sadd.s32 $0x1000, s25;
	[sflag:s22] =	ssyncadd.s32 $0xFFFFC000  }
0x31: {  	[hbm4b:s30+s3] =	stream.linear.scatter [tilespmem:s17], [sflag:$0x5], $0x4000, $0x38;
	[tilespmem:$0x11C00] =	vst v63  }
0x32: {  	_ =	swait.ge [sflag:s12], $0x4000  }
0x33: {  	[sflag:s12] =	ssyncset.done $0x0  }
0x34: {  	s31 =	simm.s32 $0x300;
	[sflag:s12] =	ssyncadd.s32 $0xFFFFC000  }
0x35: {  	[tilespmem:s17], [sflag:$0x3] =	stream.indirect.gather [hbm4b:s2+s13], $0x80, s31, s13, $0xb8;
	[tilespmem:$0x11C00] =	vst v63  }
0x36: {  	_ =	swait.ge [sflag:s23], $0x4000  }
0x37: {  	[sflag:s23] =	ssyncset.done $0x0  }
0x38: {  	s25 =	sadd.s32 $0x1800, s25;
	[sflag:s23] =	ssyncadd.s32 $0xFFFFC000  }
0x39: {  	[hbm4b:s25+s3] =	stream.linear.scatter [tilespmem:s19], [sflag:$0x5], $0x4000, $0x38;
	[tilespmem:$0x11C00] =	vst v63  }
0x3a: {  	_ =	swait.ge [sflag:s12], $0x4000  }
0x3b: {  	s28 =	simm.s32 $0x580;
	[sflag:s12] =	ssyncset.done $0x0  }
0x3c: {  	s26 =	simm.s32 $0x2000;
	s25 =	simm.s32 $0x380;
	[sflag:s12] =	ssyncadd.s32 $0xFFFFC000  }
.LBB2_2:
0x3d: {  	[tilespmem:s19], [sflag:$0x4] =	stream.indirect.gather [hbm4b:s2+s13], $0x80, s25, s13, $0xb8;
	[tilespmem:$0x11C00] =	vst v63  }
0x3e: {  	s29 =	smov.u32 s26;
	s25 =	smov.u32 s28  }
0x3f: {  	p0 =	sne.s32 s26, $0x18000;
	s26 =	sadd.s32 $0x2000, s26;
	_ =	swait.ge [sflag:s20], $0x4000  }
0x40: {  	[sflag:s20] =	ssyncset.done $0x0  }
0x41: {  	s30 =	sadd.s32 s29, s10;
	[sflag:s20] =	ssyncadd.s32 $0xFFFFC000  }
0x42: {  	[hbm4b:s30+s3] =	stream.linear.scatter [tilespmem:s14], [sflag:$0x5], $0x4000, $0x38;
	[tilespmem:$0x11C00] =	vst v63  }
0x43: {  	_ =	swait.ge [sflag:s12], $0x4000  }
0x44: {  	[sflag:s12] =	ssyncset.done $0x0  }
0x45: {  	s30 =	sadd.s32 $0xFFFFFE80, s28;
	[sflag:s12] =	ssyncadd.s32 $0xFFFFC000  }
0x46: {  	[tilespmem:s14], [sflag:$0x1] =	stream.indirect.gather [hbm4b:s2+s13], $0x80, s30, s13, $0xb8;
	[tilespmem:$0x11C00] =	vst v63  }
0x47: {  	_ =	swait.ge [sflag:s21], $0x4000  }
0x48: {  	s29 =	sadd.s32 s29, s11;
	[sflag:s21] =	ssyncset.done $0x0  }
0x49: {  	s30 =	sadd.s32 $0x800, s29;
	[sflag:s21] =	ssyncadd.s32 $0xFFFFC000  }
0x4a: {  	[hbm4b:s30+s3] =	stream.linear.scatter [tilespmem:s15], [sflag:$0x5], $0x4000, $0x38;
	[tilespmem:$0x11C00] =	vst v63  }
0x4b: {  	_ =	swait.ge [sflag:s12], $0x4000  }
0x4c: {  	[sflag:s12] =	ssyncset.done $0x0  }
0x4d: {  	s30 =	sadd.s32 $0xFFFFFF00, s28;
	[sflag:s12] =	ssyncadd.s32 $0xFFFFC000  }
0x4e: {  	[tilespmem:s15], [sflag:$0x2] =	stream.indirect.gather [hbm4b:s2+s13], $0x80, s30, s13, $0xb8;
	[tilespmem:$0x11C00] =	vst v63  }
0x4f: {  	_ =	swait.ge [sflag:s22], $0x4000  }
0x50: {  	[sflag:s22] =	ssyncset.done $0x0  }
0x51: {  	s30 =	sadd.s32 $0x1000, s29;
	[sflag:s22] =	ssyncadd.s32 $0xFFFFC000  }
0x52: {  	[hbm4b:s30+s3] =	stream.linear.scatter [tilespmem:s17], [sflag:$0x5], $0x4000, $0x38;
	[tilespmem:$0x11C00] =	vst v63  }
0x53: {  	_ =	swait.ge [sflag:s12], $0x4000  }
0x54: {  	[sflag:s12] =	ssyncset.done $0x0  }
0x55: {  	s30 =	sadd.s32 $0xFFFFFF80, s28;
	[sflag:s12] =	ssyncadd.s32 $0xFFFFC000  }
0x56: {  	[tilespmem:s17], [sflag:$0x3] =	stream.indirect.gather [hbm4b:s2+s13], $0x80, s30, s13, $0xb8;
	[tilespmem:$0x11C00] =	vst v63  }
0x57: {  	_ =	swait.ge [sflag:s23], $0x4000  }
0x58: {  	[sflag:s23] =	ssyncset.done $0x0  }
.Ltmp0:
0x59: {  	s29 =	sadd.s32 $0x1800, s29;
	[sflag:s23] =	ssyncadd.s32 $0xFFFFC000;
	(pc) =	sbr.rel @p0 .LBB2_2-.Ltmp0, $4  }
0x5a: {  	[hbm4b:s29+s3] =	stream.linear.scatter [tilespmem:s19], [sflag:$0x5], $0x4000, $0x38;
	[tilespmem:$0x11C00] =	vst v63  }
0x5b: {  	_ =	swait.ge [sflag:s12], $0x4000  }
0x5c: {  	[sflag:s12] =	ssyncset.done $0x0  }
0x5d: {  	s28 =	sadd.s32 $0x200, s28;
	[sflag:s12] =	ssyncadd.s32 $0xFFFFC000  }
0x5e: {  	[tilespmem:s19], [sflag:$0x4] =	stream.indirect.gather [hbm4b:s2+s13], $0x80, s25, s13, $0xb8;
	[tilespmem:$0x11C00] =	vst v63  }
0x5f: {  	_ =	swait.ge [sflag:s20], $0x4000  }
0x60: {  	[sflag:s20] =	ssyncset.done $0x0  }
0x61: {  	[sflag:s20] =	ssyncadd.s32 $0xFFFFC000  }
0x62: {  	[hbm4b:s6+s3] =	stream.linear.scatter [tilespmem:s14], [sflag:$0x5], $0x4000, $0x38;
	[tilespmem:$0x11C00] =	vst v63  }
0x63: {  	_ =	swait.ge [sflag:s12], $0x4000  }
0x64: {  	[sflag:s12] =	ssyncset.done $0x0  }
0x65: {  	[sflag:s12] =	ssyncadd.s32 $0xFFFFC000  }
0x66: {  	_ =	swait.ge [sflag:s21], $0x4000  }
0x67: {  	[sflag:s21] =	ssyncset.done $0x0  }
0x68: {  	[sflag:s21] =	ssyncadd.s32 $0xFFFFC000  }
0x69: {  	[hbm4b:s7+s3] =	stream.linear.scatter [tilespmem:s15], [sflag:$0x5], $0x4000, $0x38;
	[tilespmem:$0x11C00] =	vst v63  }
0x6a: {  	_ =	swait.ge [sflag:s12], $0x4000  }
0x6b: {  	[sflag:s12] =	ssyncset.done $0x0  }
0x6c: {  	[sflag:s12] =	ssyncadd.s32 $0xFFFFC000  }
0x6d: {  	_ =	swait.ge [sflag:s22], $0x4000  }
0x6e: {  	[sflag:s22] =	ssyncset.done $0x0  }
0x6f: {  	[sflag:s22] =	ssyncadd.s32 $0xFFFFC000  }
0x70: {  	[hbm4b:s8+s3] =	stream.linear.scatter [tilespmem:s17], [sflag:$0x5], $0x4000, $0x38;
	[tilespmem:$0x11C00] =	vst v63  }
0x71: {  	_ =	swait.ge [sflag:s12], $0x4000  }
0x72: {  	[sflag:s12] =	ssyncset.done $0x0  }
0x73: {  	[sflag:s12] =	ssyncadd.s32 $0xFFFFC000  }
0x74: {  	s24 =	sadd.s32 $0x1, s24;
	_ =	swait.ge [sflag:s23], $0x4000  }
0x75: {  	p0 =	sne.s32 s24, s5;
	[sflag:s23] =	ssyncset.done $0x0  }
.Ltmp1:
0x76: {  	[sflag:s23] =	ssyncadd.s32 $0xFFFFC000;
	(pc) =	sbr.rel @p0 .LBB2_1-.Ltmp1, $4  }
0x77: {  	[hbm4b:s9+s3] =	stream.linear.scatter [tilespmem:s19], [sflag:$0x5], $0x4000, $0x38;
	[tilespmem:$0x11C00] =	vst v63  }
0x78: {  	_ =	swait.ge [sflag:s12], $0x4000  }
0x79: {  	[sflag:s12] =	ssyncset.done $0x0  }
0x7a: {  	[sflag:s12] =	ssyncadd.s32 $0xFFFFC000  }
0x7b: {  	_ =	sfence.sel $0x180000  }
0x7c: {  	[bflag:$0x0] =	sbarrier.arrive $0xFFFF  }
0x7d: {  	p0 =	sne.s32 s0, $0x0;
	_ =	strace $0x90000047  }
0x7e: {  	s0 =	sadd.s32 @!p0 $0x100000, s1;
	[bflag:$0x2] =	sbarrier.arrive $0xFFFF  }
0x7f: {  	[sflag:s0] =	ssyncadd.tile.s32 @!p0 $0x1;
	_ =	shalt  }
.Lfunc_end2:
_tile_overlayer_lowered:
.L_overlay_start_2:
0x80: {  	(tag) =	ssettag $0x2  }
0x81: {  	s0 =	rddreg [dreg:$0x0];
	s2 =	stileid.u32  }
0x82: {  	s1 =	rddreg [dreg:$0x1];
	p0 =	sne.s32 s2, $0x0  }
0x83: {  	s3 =	rddreg [dreg:$0x2];
	[bflag:$0x3] =	sbarrier.arrive $0xFFFF;
	s2 =	simm.s32 @!p0 $0x1C05  }
0x84: {  	[timem:s3], [sflag:s2] =	dma.local @!p0 [hbm:s0], s1  }
0x85: {  	s0 =	simm.s32 @!p0 $0x5  }
0x86: {  	_ =	swait.ge @!p0 [sflag:s0], s1  }
0x87: {  	s1 =	ssub.s32 @!p0 $0x0, s1;
	[sflag:s0] =	ssyncset.done @!p0 $0x0  }
0x88: {  	[sflag:s0] =	ssyncadd.s32 @!p0 s1  }
0x89: {  	[bflag:$0x3] =	sbarrier.arrive $0xFFFF  }
0x8a: {  	_ =	shalt  }

// kernel: sparse-core-data-format-call.cloned.1.call-start
scs
called_computation_lowered:
.L_overlay_start_0:
0x0: {  	s2 =	sld [smem:$0x3FD9]  }
0x1: {  	s3 =	sld [smem:$0x3FFE];
	_ =	sdelay $0x1  }
0x2: {  	s1 =	srdreg.scid  }
0x3: {  	s0 =	sand.u32 $0x1, s1  }
0x4: {  	s18 =	sshll.u32 s0, $0xA;
	s2 =	sadd.s32 s3, s2  }
0x5: {  	s2 =	sadd.s32 s2, s18  }
0x6: {  	[smem:$0x3FC6] =	sst s2  }
0x7: {  	_ = 	snop  }
0x8: {  	s2 =	sld [smem:$0x3FD0];
	(tm) =	ssettm $0x1  }
0x9: {  	s19 =	sld [smem:$0x3FFB];
	_ =	sdelay $0x3  }
0xa: {  	_ =	strace s19  }
0xb: {  	s3 =	sld [smem:$0x3FFC];
	_ =	sdelay $0x3  }
0xc: {  	_ =	strace s3  }
0xd: {  	s3 =	sld [smem:$0x3FFD];
	_ =	sdelay $0x3  }
0xe: {  	_ =	strace s3  }
0xf: {  	_ =	strace $0x8FFFFFFF  }
0x10: {  	s20 =	sld [smem:$0x3FDB];
	_ =	sdelay $0x1  }
0x11: {  	s4 =	simm.s32 $_scs_section_size  }
0x12: {  	s5 =	simm.s32 $_size__tile_overlayer_lowered;
	s6 =	simm.s32 $_tile_overlayer_lowered  }
0x13: {  	s23 =	simm.s32 $0x1BFF;
	s22 =	sshll.u32 s6, $0x1;
	s3 =	sadd.s32 s4, s20  }
0x14: {  	s7 =	simm.s32 $0x0;
	s21 =	sshll.u32 s5, $0x1;
	s5 =	sadd.s32 s22, s3  }
0x15: {  	[timem:s7], [sflag:s23] =	dma.local [hbm:s5], s21  }
0x16: {  	_ =	swait.ge [sflag:s23], s21  }
0x17: {  	s4 =	ssub.s32 $0x0, s21;
	[sflag:s23] =	ssyncset.done $0x0  }
0x18: {  	[sflag:s23] =	ssyncadd.s32 s4;
	_ =	sdelay $0x1  }
0x19: {  	s24 =	simm.s32 $0x1B8B  }
0x1a: {  	_ =	swait.ge [sflag:s24], $0x1  }
0x1b: {  	[sflag:s24] =	ssyncset.done $0x0  }
0x1c: {  	s26 =	simm.s32 $0x1B8E;
	s25 =	sld [smem:$0x3FFE];
	[sflag:s24] =	ssyncadd.s32 $0xFFFFFFFF  }
0x1d: {  	s27 =	simm.s32 $execute0_lowered;
	[smem:$0x3FD2] =	sst s26  }
0x1e: {  	s5 =	sshll.u32 s27, $0x1;
	_ =	strace $0x80000049;
	[dreg:$0x1] =	wrdreg $0xFFFFFFFF  }
0x1f: {  	s28 =	simm.s32 $_size_execute0_lowered;
	s3 =	sadd.s32 s3, s5;
	[dreg:$0x0] =	wrdreg $0x0  }
0x20: {  	s5 =	sshll.u32 s28, $0x1;
	[dreg:$0x2] =	wrdreg s3  }
0x21: {  	[dreg:$0x3] =	wrdreg s5  }
0x22: {  	[dreg:$0x4] =	wrdreg $0xC0  }
0x23: {  	_ =	task [dreg:s7], $0x5FFFF  }
0x24: {  	[dreg:$0x1] =	wrdreg $0xFFFFFFFF  }
0x25: {  	[dreg:$0x0] =	wrdreg $0x60  }
0x26: {  	[dreg:$0x2] =	wrdreg s25  }
0x27: {  	[dreg:$0x3] =	wrdreg s2  }
0x28: {  	[dreg:$0x4] =	wrdreg $0x9  }
0x29: {  	_ =	task.clear_ibuf [dreg:s7], $0x5FFFF;
	_ =	strace $0x90000049  }
0x2a: {  	s29 =	simm.s32 $0x9;
	_ =	strace $0x8000004B  }
0x2b: {  	_ =	swait.ge [sflag:s29], $0x1  }
0x2c: {  	[sflag:s29] =	ssyncadd.s32 $0xFFFFFFFF  }
0x2d: {  	_ =	strace $0x9000004B  }
0x2e: {  	_ =	sfence  }
0x2f: {  	s30 =	sld [smem:$0x0];
	_ =	sdelay $0x2  }
0x30: {  	s31 =	sshll.u32 s1, $0xD;
	s1 =	sshrl.u32 s1, $0x2  }
0x31: {  	s3 =	sand.u32 $0x4000, s31;
	s1 =	sadd.s32 s1, s30  }
0x32: {  	s0 =	sor.u32 s3, s0;
	s1 =	sshll.u32 s1, $0x11  }
0x33: {  	s0 =	sor.u32 s1, s0  }
0x34: {  	s0 =	sadd.s32 $0x8F2B, s0  }
0x35: {  	[sflag:s0] =	ssyncadd.remote.s32 $0x1  }
0x36: {  	_ =	sfence.sel $0xFFFF  }
0x37: {  	[dreg:$0x0] =	wrdreg $0xFFFFFFFF;
	(pc) =	sbr.abs _section_cstart, $3  }
0x38: {  	[dreg:$0x1] =	wrdreg $0xFFFFFFFF  }
0x39: {  	_ =	task.clear_ibuf [dreg:s7], $0x2FFFF;
	_ =	strace $0x9FFFFFFF  }
0x3a: {  	(tm) =	ssettm $0x7FFFFFFF  }
0x3b: {  	_ =	shalt  }
tec
execute0_lowered:
.L_overlay_start_1:
0x0: {  	(tag) =	ssettag $0x1  }
0x1: {  	s0 =	srdreg.scid  }
0x2: {  	s1 =	sshll.u32 s0, $0x4  }
0x3: {  	s6 =	rddreg [dreg:$0x0];
	s0 =	stileid.u32;
	s1 =	sand.u32 $0x10, s1  }
0x4: {  	s3 =	rddreg [dreg:$0x1];
	s1 =	sor.u32 s0, s1  }
0x5: {  	s5 =	simm.s32 $0x1;
	s31 =	simm.s32 $0x2;
	s2 =	sshll.u32 s1, $0x7  }
0x6: {  	s15 =	simm.s32 $0x0;
	s8 =	simm.s32 $0x8000;
	s4 =	ssub.s32 $0x1000, s2  }
0x7: {  	s14 =	simm.s32 $0x0;
	s9 =	simm.s32 $0x0;
	s30 =	sand.u32 $0xF80, s4  }
0x8: {  	s10 =	simm.s32 $0x0;
	s11 =	simm.s32 $0x0;
	p0 =	sne.s32 s30, $0x0  }
.Ltmp0:
0x9: {  	s7 =	sshrl.u32 s4, $0xC;
	s5 =	simm.s32 @!p0 $0x0;
	(pc) =	sbr.rel .LBB1_1-.Ltmp0, $4  }
0xa: {  	s13 =	simm.s32 $0x0;
	s1 =	rddreg [dreg:$0x2];
	s5 =	sadd.s32 s5, s7  }
0xb: {  	_ =	strace $0x8000004A;
	s4 =	simm.s32 $0x1;
	s5 =	smul.u32 $0x32, s5  }
0xc: {  	s6 =	sadd.s32 $0x7800, s6;
	s12 =	smov.u32 s2;
	[sflag:s4] =	ssyncpa.u1 $0x0  }
0xd: {  	[sflag:s31] =	ssyncpa.u1 $0x0;
	p0 =	por $0x0, $0x0;
	s7 =	sor.u32 $0x1, s5  }
.LBB1_4:
0xe: {  	s20 =	sshra.s32 s20, $0x2;
	s28 =	sshll.u32 s10, $0x3;
	p1 =	sgt.s32 s9, $0x31  }
0xf: {  	s21 =	smov.u32 s9;
	s23 =	sshra.s32 s9, $0x1F;
	s24 =	smov.u32 s10  }
0x10: {  	v5 =	vld [tilespmem:s17+$0xFFFFFFD0];
	[tilespmem:s18+$0x2040 ss:$0x81] =	vst.msk $0xffff, v4;
	s25 =	sshra.s32 s10, $0x1F;
	s26 =	sand.u32 $0x78, s10;
	s19 =	sadd.s32 s20, s19  }
0x11: {  	v58 =	vld [tilespmem:s17+$0xFFFFFFE0];
	[tilespmem:s18+$0x2850 ss:$0x81] =	vst.msk $0xffff, v3;
	s22 =	sshrl.u32 s28, $0xC;
	s21 =	simm.s32 @!p1 $0x31;
	s23 =	sand.u32 s23, s9  }
0x12: {  	v59 =	vld [tilespmem:s17+$0xFFFFFFF0];
	[tilespmem:s18+$0x3060 ss:$0x81] =	vst.msk $0xffff, v2;
	p1 =	sgt.s32 s10, $0xF80;
	s29 =	sand.u32 s25, s10;
	s20 =	sand.u32 $0xC00, s28  }
0x13: {  	v60 =	vld [tilespmem:s17+$0x0];
	[tilespmem:s18+$0x0 ss:$0x81] =	vst.msk $0xffff, v0;
	s28 =	smul.u32 $0xD000, s9;
	s21 =	ssub.s32 s21, s23;
	s24 =	simm.s32 @!p1 $0xF80  }
0x14: {  	v61 =	vld [tilespmem:s17+$0x10];
	s30 =	smulhi.u32 $0x2762763, s22;
	[tilespmem:s19+$0x3870 ss:$0x81] =	vst.msk $0xffff, v1;
	s20 =	sor.u32 s26, s20;
	s31 =	ssub.s32 $0x32, s21  }
0x15: {  	v62 =	vld [tilespmem:s17+$0x20];
	s23 =	ssub.s32 s24, s29;
	s21 =	sadd.s32 $0xFFFFFFCF, s21;
	s25 =	smul.u32 $0x68, s31;
	[tilespmem:s19+$0x810 ss:$0x81] =	vst.msk $0xffff, v5  }
0x16: {  	v63 =	vld [tilespmem:s17+$0xFFFFFFC0];
	s18 =	smul.u32 $0x68, s30;
	p1 =	sgt.s32 s21, $0x0;
	s27 =	sadd.s32 $0xFFFFF080, s23;
	[tilespmem:s19+$0x1020 ss:$0x81] =	vst.msk $0xffff, v58  }
0x17: {  	s17 =	ssub.s32 $0x1000, s23;
	[tilespmem:s19+$0x1830 ss:$0x81] =	vst.msk $0xffff, v59;
	s25 =	simm.s32 @p1 $0x0;
	p1 =	sgt.s32 s27, $0x7F  }
0x18: {  	s29 =	sand.u32 $0x7, s10;
	[tilespmem:s19+$0x2040 ss:$0x81] =	vst.msk $0xffff, v60;
	s18 =	ssub.s32 s22, s18;
	s17 =	simm.s32 @p1 $0x0  }
0x19: {  	s21 =	sadd.s32 s3, s28;
	[tilespmem:s19+$0x2850 ss:$0x81] =	vst.msk $0xffff, v61;
	s18 =	sshll.u32 s18, $0x9;
	s17 =	smul.u32 s17, s25  }
0x1a: {  	s20 =	sshrl.u32 s20, $0x3;
	s30 =	sshll.u32 s29, $0x12;
	[tilespmem:s19+$0x3060 ss:$0x81] =	vst.msk $0xffff, v62;
	s18 =	sadd.s32 s18, s21  }
0x1b: {  	[tilespmem:s19+$0x0 ss:$0x81] =	vst.msk $0xffff, v63;
	s31 =	sor.u32 $0x400, s30;
	s18 =	sadd.s32 s20, s18;
	s17 =	sand.u32 $0x3FFFFFF8, s17  }
0x1c: {  	[hbm4b:s18+s31] =	stream.strided.scatter [tilespmem:s16], [sflag:$0x2], s17, s8, s31, $0x20;
	[tilespmem:$0x10100] =	vst v63  }
.LBB1_5:
0x1d: {  	p1 =	slt.u32 s13, $0x2  }
0x1e: {  	s17 =	smov.u32 s15;
	p2 =	sgt.s32 @!p1 s15, $0x31;
	s16 =	sshra.s32 @!p1 s15, $0x1F  }
0x1f: {  	p3 =	sgt.s32 @!p1 s14, $0xF80;
	s18 =	sshra.s32 @!p1 s14, $0x1F;
	p2 =	por !p2, p1  }
0x20: {  	s15 =	sand.u32 @!p1 s16, s15;
	p3 =	por !p3, p1;
	s16 =	smov.u32 s14  }
0x21: {  	s14 =	sand.u32 @!p1 s18, s14;
	s17 =	simm.s32 @p2 $0x31;
	s16 =	simm.s32 @p3 $0xF80  }
0x22: {  	s18 =	smov.u32 s12;
	s15 =	ssub.s32 @!p1 s17, s15;
	s14 =	ssub.s32 @!p1 s16, s14  }
0x23: {  	s16 =	sadd.s32 @!p1 $0xFFFFFFCF, s15;
	s15 =	ssub.s32 @!p1 $0x32, s15;
	s17 =	sadd.s32 @!p1 $0xFFFFF080, s14  }
0x24: {  	p2 =	sgt.s32 @!p1 s16, $0x0;
	s15 =	smul.u32 @!p1 $0x68, s15;
	p3 =	sgt.s32 @!p1 s17, $0x7F  }
0x25: {  	s14 =	ssub.s32 @!p1 $0x1000, s14;
	p2 =	por !p2, p1;
	p3 =	por !p3, p1  }
0x26: {  	s16 =	sadd.s32 $0x1, s11;
	s15 =	simm.s32 @!p2 $0x0;
	s14 =	simm.s32 @!p3 $0x0  }
0x27: {  	p2 =	sgt.s32 s16, $0x31;
	s14 =	smul.u32 @!p1 s14, s15;
	s15 =	sadd.s32 $0x1000, s12  }
0x28: {  	s18 =	smov.u32 @p2 s15  }
0x29: {  	s16 =	simm.s32 @p2 $0x0;
	p2 =	sgt.s32 s18, $0xFFF  }
0x2a: {  	s18 =	smov.u32 @p2 s2;
	p2 =	sne.s32 s13, s7  }
.Ltmp1:
0x2b: {  	p0 =	por !p0, !p0;
	s17 =	simm.s32 @!p1 $0x2;
	(pc) =	sbr.rel @!p2 .LBB1_6-.Ltmp1, $4  }
0x2c: {  	s15 =	smov.u32 s9;
	s9 =	smov.u32 s11;
	s14 =	sand.u32 @!p1 $0x3FFFFFF8, s14  }
0x2d: {  	s11 =	smov.u32 s16;
	_ =	swait.ge @!p1 [sflag:s17], s14;
	s19 =	ssub.s32 @!p1 $0x0, s14  }
0x2e: {  	s14 =	smov.u32 s10;
	s13 =	sadd.s32 $0x1, s13;
	[sflag:s17] =	ssyncset.done @!p1 $0x0  }
0x2f: {  	s10 =	smov.u32 s12;
	s12 =	smov.u32 s18;
	[sflag:s17] =	ssyncadd.s32 @!p1 s19  }
.LBB1_1:
0x30: {  	p1 =	sge.u32 s13, s5  }
0x31: {  	s16 =	sand.u32 @!p1 $0x1FFFFFF, s11  }
0x32: {  	s17 =	smulhi.u32 @!p1 $0x4924925, s16;
	_ =	sdelay $0x1  }
0x33: {  	s17 =	smul.u32 @!p1 $0x38, s17  }
0x34: {  	s18 =	sxor.u32 @!p1 $0xFFFFFFFF, s13;
	s19 =	smul.u32 @!p1 $0x380, s12  }
0x35: {  	s31 =	sadd.s32 $0xFFFFFFFF, s13;
	s18 =	sshll.u32 @!p1 s18, $0xE;
	s16 =	ssub.s32 @!p1 s16, s17  }
0x36: {  	s17 =	sand.u32 @!p1 $0x4000, s18;
	s18 =	sadd.s32 @!p1 s6, s19;
	s16 =	sshll.u32 @!p1 s16, $0x4  }
0x37: {  	s19 =	simm.s32 @!p1 $0x1C00;
	s16 =	sadd.s32 @!p1 s16, s18;
	s18 =	simm.s32 @!p1 $0x80  }
0x38: {  	[tilespmem:s17], [sflag:$0x1] =	stream.strided.gather @!p1 [hbm4b:s16+s18], $0x4000, s19, s18, $0x38;
	[tilespmem:$0x10100] =	vst v63  }
0x39: {  	p1 =	sge.u32 s31, s5  }
.Ltmp2:
0x3a: {  	_ = 	snop;
	(pc) =	sbr.rel @p1 .LBB1_5-.Ltmp2, $1  }
0x3b: {  	_ =	sdelay $0x3  }
0x3c: {  	s16 =	simm.s32 $0x1  }
0x3d: {  	_ =	swait.ge [sflag:s4], $0x4000;
	s16 =	simm.s32 @!p0 $0x0  }
0x3e: {  	[sflag:s4] =	ssyncset.done $0x0;
	s17 =	sshll.u32 s16, $0xE  }
0x3f: {  	[sflag:s4] =	ssyncadd.s32 $0xFFFFC000;
	s17 =	sor.u32 $0x40, s17  }
0x40: {  	s16 =	smul.u32 $0x10200, s16;
	v0 =	vld [tilespmem:s17+$0x30]  }
0x41: {  	v1 =	vld [tilespmem:s17+$0xFFFFFFD0]  }
0x42: {  	s16 =	sshrl.u32 s16, $0x2;
	v5 =	vld [tilespmem:s17+$0xFFFFFFE0]  }
0x43: {  	v6 =	vld [tilespmem:s17+$0xFFFFFFF0];
	s19 =	sor.u32 $0x8000, s16  }
0x44: {  	s31 =	sand.u32 $0x1, s13;
	v4 =	vld [tilespmem:s17+$0x0];
	s18 =	sadd.s32 $0x0, s19  }
0x45: {  	v3 =	vld [tilespmem:s17+$0x10];
	s16 =	smul.u32 $0x10200, s31;
	[tilespmem:s18+$0x3870 ss:$0x81] =	vst.msk $0xffff, v0  }
0x46: {  	v2 =	vld [tilespmem:s17+$0x20];
	[tilespmem:s18+$0x810 ss:$0x81] =	vst.msk $0xffff, v1  }
0x47: {  	s16 =	sshrl.u32 s16, $0x2;
	v0 =	vld [tilespmem:s17+$0xFFFFFFC0];
	[tilespmem:s18+$0x1020 ss:$0x81] =	vst.msk $0xffff, v5;
	s17 =	sadd.s32 $0x80, s17  }
0x48: {  	s20 =	simm.s32 $0x4;
	s21 =	simm.s32 $0x8;
	s16 =	sor.u32 $0x8000, s16;
	[tilespmem:s18+$0x1830 ss:$0x81] =	vst.msk $0xffff, v6;
	v1 =	vld [tilespmem:s17+$0x30]  }
.LBB1_3:
0x49: {  	p1 =	sne.s32 s21, $0x1FC;
	v5 =	vld [tilespmem:s17+$0xFFFFFFD0];
	[tilespmem:s18+$0x2040 ss:$0x81] =	vst.msk $0xffff, v4  }
0x4a: {  	v6 =	vld [tilespmem:s17+$0xFFFFFFE0];
	[tilespmem:s18+$0x2850 ss:$0x81] =	vst.msk $0xffff, v3  }
0x4b: {  	s22 =	sshra.s32 s20, $0x2;
	s20 =	smov.u32 s21;
	v7 =	vld [tilespmem:s17+$0xFFFFFFF0];
	[tilespmem:s18+$0x3060 ss:$0x81] =	vst.msk $0xffff, v2  }
.Ltmp3:
0x4c: {  	v4 =	vld [tilespmem:s17+$0x0];
	[tilespmem:s18+$0x0 ss:$0x81] =	vst.msk $0xffff, v0;
	s18 =	sadd.s32 s22, s19;
	(pc) =	sbr.rel @p1 .LBB1_3-.Ltmp3, $4  }
0x4d: {  	v3 =	vld [tilespmem:s17+$0x10];
	[tilespmem:s18+$0x3870 ss:$0x81] =	vst.msk $0xffff, v1  }
0x4e: {  	[tilespmem:s18+$0x810 ss:$0x81] =	vst.msk $0xffff, v5;
	v2 =	vld [tilespmem:s17+$0x20]  }
0x4f: {  	v0 =	vld [tilespmem:s17+$0xFFFFFFC0];
	[tilespmem:s18+$0x1020 ss:$0x81] =	vst.msk $0xffff, v6;
	s17 =	sadd.s32 $0x80, s17  }
0x50: {  	s21 =	sadd.s32 $0x4, s21;
	v1 =	vld [tilespmem:s17+$0x30];
	[tilespmem:s18+$0x1830 ss:$0x81] =	vst.msk $0xffff, v7  }
.Ltmp4:
0x51: {  	_ = 	snop;
	(pc) =	sbr.rel .LBB1_4-.Ltmp4, $1  }
0x52: {  	_ =	sdelay $0x3  }
.LBB1_6:
0x53: {  	_ =	sfence.sel $0x180000  }
0x54: {  	s2 =	simm.s32 $0x1;
	[bflag:$0x0] =	sbarrier.arrive $0xFFFF  }
0x55: {  	s31 =	simm.s32 $0x2;
	[sflag:s2] =	ssyncpa.u1 $0x1  }
0x56: {  	[sflag:s31] =	ssyncpa.u1 $0x1  }
0x57: {  	p0 =	sne.s32 s0, $0x0;
	_ =	strace $0x9000004A  }
0x58: {  	s0 =	sadd.s32 @!p0 $0x100000, s1;
	[bflag:$0x2] =	sbarrier.arrive $0xFFFF  }
0x59: {  	[sflag:s0] =	ssyncadd.tile.s32 @!p0 $0x1;
	_ =	shalt  }
.Lfunc_end1:
_tile_overlayer_lowered:
.L_overlay_start_2:
0x5a: {  	(tag) =	ssettag $0x2  }
0x5b: {  	s0 =	rddreg [dreg:$0x0];
	s2 =	stileid.u32  }
0x5c: {  	s1 =	rddreg [dreg:$0x1];
	p0 =	sne.s32 s2, $0x0  }
0x5d: {  	s3 =	rddreg [dreg:$0x2];
	[bflag:$0x3] =	sbarrier.arrive $0xFFFF;
	s2 =	simm.s32 @!p0 $0x1C01  }
0x5e: {  	[timem:s3], [sflag:s2] =	dma.local @!p0 [hbm:s0], s1  }
0x5f: {  	s0 =	simm.s32 @!p0 $0x1  }
0x60: {  	_ =	swait.ge @!p0 [sflag:s0], s1  }
0x61: {  	s1 =	ssub.s32 @!p0 $0x0, s1;
	[sflag:s0] =	ssyncset.done @!p0 $0x0  }
0x62: {  	[sflag:s0] =	ssyncadd.s32 @!p0 s1  }
0x63: {  	[bflag:$0x3] =	sbarrier.arrive $0xFFFF  }
0x64: {  	_ =	shalt  }

</sc_bundles>
